<compile_context>
chip_gen: v7x
topology: tpu7x:2x2x1
jax: 0.10.2.dev20260603
libtpu: 0.0.44.dev20260713+nightly
codegen_flags: <defaults>
</compile_context>

<pallas_src>
import functools

import jax
import jax.numpy as jnp
from jax import lax
from jax.experimental import pallas as pl
from jax.experimental.pallas import tpu as pltpu
from jax.experimental.pallas import tpu_sc as plsc

N = 10000
D = 128
C = 40
E = 320000
NW = 32
BATCH = 128
CH0 = 96
CH1 = 61
CHMAX = max(CH0, CH1)
E_PAD = 16 * (CH0 + CH1) * BATCH
NP = N + 112
STRIPE = NP // 16

_MESH = plsc.VectorSubcoreMesh(core_axis_name="c", subcore_axis_name="s")



@functools.partial(
    pl.kernel,
    out_type=jax.ShapeDtypeStruct((2, NP, D), jnp.float32),
    mesh=_MESH,
    scratch_types=[
        pltpu.VMEM((CHMAX, BATCH), jnp.int32),
        pltpu.VMEM((BATCH, D), jnp.float32),
        pltpu.VMEM_SHARED((NP, D), jnp.float32),
        pltpu.SemaphoreType.DMA,
    ],
)
def _deg_kernel(dst_hbm, ones_hbm, z_hbm, out_hbm, dst_v, ones_v, acc, sem):
    c = lax.axis_index("c")
    s = lax.axis_index("s")
    nc = jnp.where(c == 0, CH0, CH1)
    pltpu.sync_copy(z_hbm, acc.at[pl.ds(s * STRIPE, STRIPE)])
    pltpu.sync_copy(ones_hbm, ones_v)
    pltpu.sync_copy(dst_hbm.at[s, c], dst_v)
    plsc.subcore_barrier()

    def body(j, carry):
        pltpu.async_copy(ones_v, acc.at[dst_v.at[j]], sem, add=True)

        @pl.when(j >= 8)
        def _():
            pltpu.make_async_copy(ones_v, acc.at[dst_v.at[j - 8]], sem).wait()

        return carry

    lax.fori_loop(0, nc, body, 0)

    def drain(j, carry):
        pltpu.make_async_copy(ones_v, acc.at[dst_v.at[j]], sem).wait()
        return carry

    lax.fori_loop(nc - 8, nc, drain, 0)
    plsc.subcore_barrier()
    pltpu.sync_copy(acc.at[pl.ds(s * STRIPE, STRIPE)],
                    out_hbm.at[c, pl.ds(s * STRIPE, STRIPE)])


@functools.partial(
    pl.kernel,
    out_type=jax.ShapeDtypeStruct((2, NP, D), jnp.float32),
    mesh=_MESH,
    scratch_types=[
        pltpu.VMEM((CHMAX, BATCH), jnp.int32),
        pltpu.VMEM((CHMAX, BATCH), jnp.int32),
        pltpu.VMEM((BATCH, D), jnp.float32),
        pltpu.VMEM_SHARED((NP, D), jnp.float32),
        pltpu.SemaphoreType.DMA,
    ],
)
def _agg_kernel(q_hbm, src_hbm, dst_hbm, z_hbm, out_hbm,
                src_v, dst_v, rows_v, acc, sem):
    c = lax.axis_index("c")
    s = lax.axis_index("s")
    nc = jnp.where(c == 0, CH0, CH1)
    pltpu.sync_copy(z_hbm, acc.at[pl.ds(s * STRIPE, STRIPE)])
    pltpu.sync_copy(src_hbm.at[s, c], src_v)
    pltpu.sync_copy(dst_hbm.at[s, c], dst_v)
    plsc.subcore_barrier()

    def body(j, carry):
        pltpu.async_copy(q_hbm.at[src_v.at[j]], rows_v, sem).wait()
        pltpu.sync_copy(rows_v, acc.at[dst_v.at[j]], add=True)
        return carry

    lax.fori_loop(0, nc, body, 0)
    plsc.subcore_barrier()
    pltpu.sync_copy(acc.at[pl.ds(s * STRIPE, STRIPE)],
                    out_hbm.at[c, pl.ds(s * STRIPE, STRIPE)])



def _dis(degp_ref):
    deg = degp_ref[0, :N, 0:1] + degp_ref[1, :N, 0:1] + 1.0
    return lax.rsqrt(deg)


def _pad16(q):
    return jnp.concatenate([q, jnp.zeros((NP - N, D), jnp.float32)], axis=0)


def _pre_body(x_ref, w_ref, degp_ref, q_ref):
    dis = _dis(degp_ref)
    q = jnp.dot(x_ref[...], w_ref[...],
                preferred_element_type=jnp.float32) * dis
    q_ref[...] = _pad16(q)


def _bn_act(part_ref, qp_ref, degp_ref, b_ref, g_ref, be_ref):
    dis = _dis(degp_ref)
    agg = part_ref[0, :N, :] + part_ref[1, :N, :] + qp_ref[:N, :]
    out = agg * dis + b_ref[...]
    m = jnp.mean(out, axis=0, keepdims=True)
    v = jnp.mean((out - m) ** 2, axis=0, keepdims=True)
    h = (out - m) * lax.rsqrt(v + 1e-5) * g_ref[...] + be_ref[...]
    return jnp.where(h >= 0, h, 0.01 * h), dis


def _mid_body(part_ref, qp_ref, degp_ref, b_ref, g_ref, be_ref, w_ref, q_ref):
    h, dis = _bn_act(part_ref, qp_ref, degp_ref, b_ref, g_ref, be_ref)
    q = jnp.dot(h, w_ref[...], preferred_element_type=jnp.float32) * dis
    q_ref[...] = _pad16(q)


def _fin_body(part_ref, qp_ref, degp_ref, b_ref, g_ref, be_ref,
              wfc_ref, bfc_ref, out_ref):
    h, _ = _bn_act(part_ref, qp_ref, degp_ref, b_ref, g_ref, be_ref)
    logits = jnp.dot(h, wfc_ref[...],
                     preferred_element_type=jnp.float32) + bfc_ref[...]
    mx = jnp.max(logits, axis=1, keepdims=True)
    z = logits - mx
    out_ref[...] = z - jnp.log(jnp.sum(jnp.exp(z), axis=1, keepdims=True))


_pre = pl.pallas_call(
    _pre_body, out_shape=jax.ShapeDtypeStruct((NP, D), jnp.float32))
_mid = pl.pallas_call(
    _mid_body, out_shape=jax.ShapeDtypeStruct((NP, D), jnp.float32))
_fin = pl.pallas_call(
    _fin_body, out_shape=jax.ShapeDtypeStruct((N, C), jnp.float32))



def kernel(x, edge_index, W1, b1, g1, be1, W2, b2, g2, be2,
           W3, b3, g3, be3, Wfc, bfc):
    n0 = 16 * CH0 * BATCH
    n1 = 16 * CH1 * BATCH

    def _split(v, fill):
        vp = jnp.concatenate([v, jnp.full((E_PAD - E,), fill, jnp.int32)])
        c0 = vp[:n0].reshape(16, 1, CH0, BATCH)
        c1 = vp[n0:].reshape(16, 1, CH1, BATCH)
        pad0 = ((0, 0), (0, 0), (0, CHMAX - CH0), (0, 0))
        pad1 = ((0, 0), (0, 0), (0, CHMAX - CH1), (0, 0))
        return jnp.concatenate([jnp.pad(c0, pad0, constant_values=fill),
                                jnp.pad(c1, pad1, constant_values=fill)],
                               axis=1)

    src = _split(edge_index[0], 0)
    dst = _split(edge_index[1], N)
    zD = x[:STRIPE] * 0.0
    onesB = x[:BATCH] * 0.0 + 1.0

    degp = _deg_kernel(dst, onesB, zD)
    q1 = _pre(x, W1, degp)
    p1 = _agg_kernel(q1, src, dst, zD)
    q2 = _mid(p1, q1, degp, b1, g1, be1, W2)
    p2 = _agg_kernel(q2, src, dst, zD)
    q3 = _mid(p2, q2, degp, b2, g2, be2, W3)
    p3 = _agg_kernel(q3, src, dst, zD)
    return _fin(p3, q3, degp, b3, g3, be3, Wfc, bfc)

# --- scband reference (transcript-rebuilt; emitter-appended) ---
"""Pipeline reference for scband-gcn-7241314861628 (READ-ONLY COPY).

The authoritative reference and input builder live on the scoring server;
editing this copy changes nothing except your own understanding.
"""

import jax, jax.numpy as jnp
import numpy as np

N = 10000
E = 320000
D = 128
H = 128
C = 40


def _init_linear(key, fan_in, fan_out):
    k1, k2 = jax.random.split(key)
    bound = 1.0 / np.sqrt(fan_in)
    W = jax.random.uniform(k1, (fan_in, fan_out), minval=-bound, maxval=bound, dtype=jnp.float32)
    b = jax.random.uniform(k2, (fan_out,), minval=-bound, maxval=bound, dtype=jnp.float32)
    return W, b


def setup_inputs(seed: int = 0):
    key = jax.random.key(seed)
    ks = jax.random.split(key, 8)
    x = jax.random.normal(ks[0], (N, D), dtype=jnp.float32)
    edge_index = jax.random.randint(ks[1], (2, E), 0, N, dtype=jnp.int32)
    W1, b1 = _init_linear(ks[2], D, H)
    W2, b2 = _init_linear(ks[3], H, H)
    W3, b3 = _init_linear(ks[4], H, H)
    Wfc, bfc = _init_linear(ks[5], H, C)
    g1 = jnp.ones((H,), dtype=jnp.float32); be1 = jnp.zeros((H,), dtype=jnp.float32)
    g2 = jnp.ones((H,), dtype=jnp.float32); be2 = jnp.zeros((H,), dtype=jnp.float32)
    g3 = jnp.ones((H,), dtype=jnp.float32); be3 = jnp.zeros((H,), dtype=jnp.float32)
    return dict(x=x, edge_index=edge_index,
                W1=W1, b1=b1, g1=g1, be1=be1,
                W2=W2, b2=b2, g2=g2, be2=be2,
                W3=W3, b3=b3, g3=g3, be3=be3,
                Wfc=Wfc, bfc=bfc)


def _gcn_conv(x, edge_index, W, b):
    # PyG GCNConv: x' = D^{-1/2} (A + I) D^{-1/2} (X W) + b
    n = x.shape[0]
    h = x @ W
    loop = jnp.arange(n, dtype=edge_index.dtype)
    src = jnp.concatenate([edge_index[0], loop])
    dst = jnp.concatenate([edge_index[1], loop])
    deg = jnp.zeros((n,), dtype=h.dtype).at[dst].add(1.0)
    dis = jnp.where(deg > 0, jax.lax.rsqrt(jnp.maximum(deg, 1e-12)), 0.0)
    norm = dis[src] * dis[dst]
    msg = h[src] * norm[:, None]
    out = jnp.zeros_like(h).at[dst].add(msg)
    return out + b


def _bn_train(x, g, b):
    mean = jnp.mean(x, axis=0)
    var = jnp.var(x, axis=0)
    return (x - mean) * jax.lax.rsqrt(var + 1e-5) * g + b


def reference(x, edge_index, W1, b1, g1, be1, W2, b2, g2, be2, W3, b3, g3, be3, Wfc, bfc):
    h = x
    for (W, b, g, be) in ((W1, b1, g1, be1), (W2, b2, g2, be2), (W3, b3, g3, be3)):
        h = _gcn_conv(h, edge_index, W, b)
        h = _bn_train(h, g, be)
        h = jax.nn.leaky_relu(h, negative_slope=0.01)
        # dropout p=0 -> identity
    logits = h @ Wfc + bfc
    return jax.nn.log_softmax(logits, axis=1)

if __name__ == "__main__":
    import jax
    _d = setup_inputs()
    print(jax.jit(kernel)(*tuple(_d.values())))

</pallas_src>

<mosaic_0001>
#map = affine_map<(d0, d1) -> (0, 0)>
#map1 = affine_map<(d0, d1) -> (0, 0, 0, 0)>
#map2 = affine_map<(d0, d1) -> (0, 0, 0)>
module attributes {stable_mosaic.version = 14 : i64} {
  func.func @_agg_kernel(%arg0: i32, %arg1: i32, %arg2: memref<10112x128xf32, #tpu.memory_space<hbm>>, %arg3: memref<16x2x96x128xi32, #tpu.memory_space<hbm>>, %arg4: memref<16x2x96x128xi32, #tpu.memory_space<hbm>>, %arg5: memref<632x128xf32, #tpu.memory_space<hbm>>, %arg6: memref<2x10112x128xf32, #tpu.memory_space<hbm>>, %arg7: memref<96x128xi32, #tpu.memory_space<vmem>>, %arg8: memref<96x128xi32, #tpu.memory_space<vmem>>, %arg9: memref<128x128xf32, #tpu.memory_space<vmem>>, %arg10: memref<10112x128xf32, #tpu.memory_space<vmem_shared>>, %arg11: memref<!tpu.dma_semaphore, #tpu.memory_space<semaphore_mem>>) attributes {dimension_semantics = [#tpu.dimension_semantics<core_parallel>, #tpu.dimension_semantics<subcore_parallel>], iteration_bounds = array<i64: 2, 16>, scalar_prefetch = 0 : i64, scratch_operands = 5 : i64, tpu.core_type = #tpu.core_type<sc_vector_subcore>, window_params = [{transform_indices = #map}, {transform_indices = #map1}, {transform_indices = #map1}, {transform_indices = #map}, {transform_indices = #map2}]} {
    %eq3A = arith.constant 0 : i32
    %eq3A_0 = arith.cmpi eq, %arg0, %eq3A : i32
    %jit3A = arith.constant 96 : i32
    %jit3A_1 = arith.constant 61 : i32
    %select_n3A = arith.select %eq3A_0, %jit3A, %jit3A_1 : i32
    %mul3A = arith.constant 632 : i32
    %mul3A_2 = arith.muli %arg1, %mul3A : i32
    "tpu.region"() ({
      %run_scoped3A = tpu.sem_alloc : memref<!tpu.dma_semaphore, #tpu.memory_space<semaphore_mem>>
      %dma_start3A = arith.constant 0 : i32
      %dma_start3A_17 = tpu.memref_slice %arg10[%mul3A_2, %dma_start3A] : memref<10112x128xf32, #tpu.memory_space<vmem_shared>> -> memref<632x128xf32, #tpu.memory_space<vmem_shared>>
      tpu.enqueue_dma source(%arg5 : memref<632x128xf32, #tpu.memory_space<hbm>>) target(%dma_start3A_17 : memref<632x128xf32, #tpu.memory_space<vmem_shared>>) target_semaphore(%run_scoped3A : memref<!tpu.dma_semaphore, #tpu.memory_space<semaphore_mem>>)
      %dma_wait3A = arith.constant 0 : i32
      %dma_wait3A_18 = tpu.memref_slice %arg10[%mul3A_2, %dma_wait3A] : memref<10112x128xf32, #tpu.memory_space<vmem_shared>> -> memref<632x128xf32, #tpu.memory_space<vmem_shared>>
      tpu.wait_dma2 semaphore(%run_scoped3A : memref<!tpu.dma_semaphore, #tpu.memory_space<semaphore_mem>>) src(%arg5 : memref<632x128xf32, #tpu.memory_space<hbm>>) dst(%dma_wait3A_18 : memref<632x128xf32, #tpu.memory_space<vmem_shared>>)
      tpu.yield
    }) : () -> ()
    "tpu.region"() ({
      %run_scoped3A = tpu.sem_alloc : memref<!tpu.dma_semaphore, #tpu.memory_space<semaphore_mem>>
      %dma_start3A = arith.constant 0 : i32
      %dma_start3A_17 = arith.constant 0 : i32
      %dma_start3A_18 = tpu.memref_slice %arg3[%arg1, %arg0, %dma_start3A, %dma_start3A_17] : memref<16x2x96x128xi32, #tpu.memory_space<hbm>> -> memref<1x1x96x128xi32, #tpu.memory_space<hbm>>
      %dma_start3A_19 = tpu.memref_squeeze %dma_start3A_18 : memref<1x1x96x128xi32, #tpu.memory_space<hbm>> -> memref<96x128xi32, #tpu.memory_space<hbm>>
      %dma_start3A_20 = arith.constant 0 : i32
      %dma_start3A_21 = arith.constant 0 : i32
      %dma_start3A_22 = tpu.memref_slice %arg3[%arg1, %arg0, %dma_start3A_20, %dma_start3A_21] : memref<16x2x96x128xi32, #tpu.memory_space<hbm>> -> memref<1x1x96x128xi32, #tpu.memory_space<hbm>>
      %dma_start3A_23 = tpu.memref_squeeze %dma_start3A_22 : memref<1x1x96x128xi32, #tpu.memory_space<hbm>> -> memref<96x128xi32, #tpu.memory_space<hbm>>
      tpu.enqueue_dma source(%dma_start3A_23 : memref<96x128xi32, #tpu.memory_space<hbm>>) target(%arg7 : memref<96x128xi32, #tpu.memory_space<vmem>>) target_semaphore(%run_scoped3A : memref<!tpu.dma_semaphore, #tpu.memory_space<semaphore_mem>>)
      %dma_wait3A = arith.constant 0 : i32
      %dma_wait3A_24 = arith.constant 0 : i32
      %dma_wait3A_25 = tpu.memref_slice %arg3[%arg1, %arg0, %dma_wait3A, %dma_wait3A_24] : memref<16x2x96x128xi32, #tpu.memory_space<hbm>> -> memref<1x1x96x128xi32, #tpu.memory_space<hbm>>
      %dma_wait3A_26 = tpu.memref_squeeze %dma_wait3A_25 : memref<1x1x96x128xi32, #tpu.memory_space<hbm>> -> memref<96x128xi32, #tpu.memory_space<hbm>>
      %dma_wait3A_27 = arith.constant 0 : i32
      %dma_wait3A_28 = arith.constant 0 : i32
      %dma_wait3A_29 = tpu.memref_slice %arg3[%arg1, %arg0, %dma_wait3A_27, %dma_wait3A_28] : memref<16x2x96x128xi32, #tpu.memory_space<hbm>> -> memref<1x1x96x128xi32, #tpu.memory_space<hbm>>
      %dma_wait3A_30 = tpu.memref_squeeze %dma_wait3A_29 : memref<1x1x96x128xi32, #tpu.memory_space<hbm>> -> memref<96x128xi32, #tpu.memory_space<hbm>>
      tpu.wait_dma2 semaphore(%run_scoped3A : memref<!tpu.dma_semaphore, #tpu.memory_space<semaphore_mem>>) src(%dma_wait3A_30 : memref<96x128xi32, #tpu.memory_space<hbm>>) dst(%arg7 : memref<96x128xi32, #tpu.memory_space<vmem>>)
      tpu.yield
    }) : () -> ()
    "tpu.region"() ({
      %run_scoped3A = tpu.sem_alloc : memref<!tpu.dma_semaphore, #tpu.memory_space<semaphore_mem>>
      %dma_start3A = arith.constant 0 : i32
      %dma_start3A_17 = arith.constant 0 : i32
      %dma_start3A_18 = tpu.memref_slice %arg4[%arg1, %arg0, %dma_start3A, %dma_start3A_17] : memref<16x2x96x128xi32, #tpu.memory_space<hbm>> -> memref<1x1x96x128xi32, #tpu.memory_space<hbm>>
      %dma_start3A_19 = tpu.memref_squeeze %dma_start3A_18 : memref<1x1x96x128xi32, #tpu.memory_space<hbm>> -> memref<96x128xi32, #tpu.memory_space<hbm>>
      %dma_start3A_20 = arith.constant 0 : i32
      %dma_start3A_21 = arith.constant 0 : i32
      %dma_start3A_22 = tpu.memref_slice %arg4[%arg1, %arg0, %dma_start3A_20, %dma_start3A_21] : memref<16x2x96x128xi32, #tpu.memory_space<hbm>> -> memref<1x1x96x128xi32, #tpu.memory_space<hbm>>
      %dma_start3A_23 = tpu.memref_squeeze %dma_start3A_22 : memref<1x1x96x128xi32, #tpu.memory_space<hbm>> -> memref<96x128xi32, #tpu.memory_space<hbm>>
      tpu.enqueue_dma source(%dma_start3A_23 : memref<96x128xi32, #tpu.memory_space<hbm>>) target(%arg8 : memref<96x128xi32, #tpu.memory_space<vmem>>) target_semaphore(%run_scoped3A : memref<!tpu.dma_semaphore, #tpu.memory_space<semaphore_mem>>)
      %dma_wait3A = arith.constant 0 : i32
      %dma_wait3A_24 = arith.constant 0 : i32
      %dma_wait3A_25 = tpu.memref_slice %arg4[%arg1, %arg0, %dma_wait3A, %dma_wait3A_24] : memref<16x2x96x128xi32, #tpu.memory_space<hbm>> -> memref<1x1x96x128xi32, #tpu.memory_space<hbm>>
      %dma_wait3A_26 = tpu.memref_squeeze %dma_wait3A_25 : memref<1x1x96x128xi32, #tpu.memory_space<hbm>> -> memref<96x128xi32, #tpu.memory_space<hbm>>
      %dma_wait3A_27 = arith.constant 0 : i32
      %dma_wait3A_28 = arith.constant 0 : i32
      %dma_wait3A_29 = tpu.memref_slice %arg4[%arg1, %arg0, %dma_wait3A_27, %dma_wait3A_28] : memref<16x2x96x128xi32, #tpu.memory_space<hbm>> -> memref<1x1x96x128xi32, #tpu.memory_space<hbm>>
      %dma_wait3A_30 = tpu.memref_squeeze %dma_wait3A_29 : memref<1x1x96x128xi32, #tpu.memory_space<hbm>> -> memref<96x128xi32, #tpu.memory_space<hbm>>
      tpu.wait_dma2 semaphore(%run_scoped3A : memref<!tpu.dma_semaphore, #tpu.memory_space<semaphore_mem>>) src(%dma_wait3A_30 : memref<96x128xi32, #tpu.memory_space<hbm>>) dst(%arg8 : memref<96x128xi32, #tpu.memory_space<vmem>>)
      tpu.yield
    }) : () -> ()
    %barrier3A = arith.constant 0 : index
    tpu.barrier barrier_id(%barrier3A)
    %while3A = arith.constant 0 : i32
    %while3A_3 = arith.constant 0 : i32
    %while3A_4 = arith.subi %select_n3A, %while3A_3 : i32
    %while3A_5 = arith.addi %while3A_3, %while3A_4 : i32
    %while3A_6 = arith.constant 1 : i32
    %while3A_7 = arith.divsi %while3A_4, %while3A_6 : i32
    %while3A_8 = arith.muli %while3A_7, %while3A_6 : i32
    %while3A_9 = arith.addi %while3A_3, %while3A_8 : i32
    %while3A_10 = arith.constant 1 : i32
    scf.for %while3A_17 = %while3A_3 to %while3A_9 step %while3A_10  : i32 {
      %dma_start3A = arith.constant 0 : i32
      %dma_start3A_18 = tpu.memref_slice %arg7[%while3A_17, %dma_start3A] : memref<96x128xi32, #tpu.memory_space<vmem>> -> memref<1x128xi32, #tpu.memory_space<vmem>>
      %dma_start3A_19 = tpu.memref_squeeze %dma_start3A_18 : memref<1x128xi32, #tpu.memory_space<vmem>> -> memref<128xi32, #tpu.memory_space<vmem>>
      %dma_start3A_20 = arith.constant 0 : i32
      %dma_start3A_21 = arith.constant 0 : i32
      %dma_start3A_22 = tpu.memref_slice %arg2[%dma_start3A_20, %dma_start3A_21] : memref<10112x128xf32, #tpu.memory_space<hbm>> -> memref<10112x128xf32, #tpu.memory_space<hbm>>
      tpu.enqueue_indirect_dma source(%dma_start3A_22 : memref<10112x128xf32, #tpu.memory_space<hbm>>) target(%arg9 : memref<128x128xf32, #tpu.memory_space<vmem>>) offsets(%dma_start3A_19 : memref<128xi32, #tpu.memory_space<vmem>>) semaphore(%arg11 : memref<!tpu.dma_semaphore, #tpu.memory_space<semaphore_mem>>)
      %dma_wait3A = arith.constant 0 : i32
      %dma_wait3A_23 = tpu.memref_slice %arg7[%while3A_17, %dma_wait3A] : memref<96x128xi32, #tpu.memory_space<vmem>> -> memref<1x128xi32, #tpu.memory_space<vmem>>
      %dma_wait3A_24 = tpu.memref_squeeze %dma_wait3A_23 : memref<1x128xi32, #tpu.memory_space<vmem>> -> memref<128xi32, #tpu.memory_space<vmem>>
      %dma_wait3A_25 = arith.constant 0 : i32
      %dma_wait3A_26 = arith.constant 0 : i32
      %dma_wait3A_27 = tpu.memref_slice %arg2[%dma_wait3A_25, %dma_wait3A_26] : memref<10112x128xf32, #tpu.memory_space<hbm>> -> memref<10112x128xf32, #tpu.memory_space<hbm>>
      tpu.wait_indirect_dma semaphore(%arg11 : memref<!tpu.dma_semaphore, #tpu.memory_space<semaphore_mem>>) src(%dma_wait3A_27 : memref<10112x128xf32, #tpu.memory_space<hbm>>) dst(%arg9 : memref<128x128xf32, #tpu.memory_space<vmem>>)
      "tpu.region"() ({
        %run_scoped3A = tpu.sem_alloc : memref<!tpu.dma_semaphore, #tpu.memory_space<semaphore_mem>>
        %dma_start3A_28 = arith.constant 0 : i32
        %dma_start3A_29 = tpu.memref_slice %arg8[%while3A_17, %dma_start3A_28] : memref<96x128xi32, #tpu.memory_space<vmem>> -> memref<1x128xi32, #tpu.memory_space<vmem>>
        %dma_start3A_30 = tpu.memref_squeeze %dma_start3A_29 : memref<1x128xi32, #tpu.memory_space<vmem>> -> memref<128xi32, #tpu.memory_space<vmem>>
        %dma_start3A_31 = arith.constant 0 : i32
        %dma_start3A_32 = arith.constant 0 : i32
        %dma_start3A_33 = tpu.memref_slice %arg10[%dma_start3A_31, %dma_start3A_32] : memref<10112x128xf32, #tpu.memory_space<vmem_shared>> -> memref<10112x128xf32, #tpu.memory_space<vmem_shared>>
        tpu.enqueue_indirect_dma source(%arg9 : memref<128x128xf32, #tpu.memory_space<vmem>>) target(%dma_start3A_33 : memref<10112x128xf32, #tpu.memory_space<vmem_shared>>) offsets(%dma_start3A_30 : memref<128xi32, #tpu.memory_space<vmem>>) semaphore(%run_scoped3A : memref<!tpu.dma_semaphore, #tpu.memory_space<semaphore_mem>>) {add = true}
        %dma_wait3A_34 = arith.constant 0 : i32
        %dma_wait3A_35 = tpu.memref_slice %arg8[%while3A_17, %dma_wait3A_34] : memref<96x128xi32, #tpu.memory_space<vmem>> -> memref<1x128xi32, #tpu.memory_space<vmem>>
        %dma_wait3A_36 = tpu.memref_squeeze %dma_wait3A_35 : memref<1x128xi32, #tpu.memory_space<vmem>> -> memref<128xi32, #tpu.memory_space<vmem>>
        %dma_wait3A_37 = arith.constant 0 : i32
        %dma_wait3A_38 = arith.constant 0 : i32
        %dma_wait3A_39 = tpu.memref_slice %arg10[%dma_wait3A_37, %dma_wait3A_38] : memref<10112x128xf32, #tpu.memory_space<vmem_shared>> -> memref<10112x128xf32, #tpu.memory_space<vmem_shared>>
        tpu.wait_indirect_dma semaphore(%run_scoped3A : memref<!tpu.dma_semaphore, #tpu.memory_space<semaphore_mem>>) src(%arg9 : memref<128x128xf32, #tpu.memory_space<vmem>>) dst(%dma_wait3A_39 : memref<10112x128xf32, #tpu.memory_space<vmem_shared>>)
        tpu.yield
      }) : () -> ()
    }
    %while3A_11 = arith.constant 1 : i32
    scf.for %while3A_17 = %while3A_9 to %while3A_5 step %while3A_11  : i32 {
      %dma_start3A = arith.constant 0 : i32
      %dma_start3A_18 = tpu.memref_slice %arg7[%while3A_17, %dma_start3A] : memref<96x128xi32, #tpu.memory_space<vmem>> -> memref<1x128xi32, #tpu.memory_space<vmem>>
      %dma_start3A_19 = tpu.memref_squeeze %dma_start3A_18 : memref<1x128xi32, #tpu.memory_space<vmem>> -> memref<128xi32, #tpu.memory_space<vmem>>
      %dma_start3A_20 = arith.constant 0 : i32
      %dma_start3A_21 = arith.constant 0 : i32
      %dma_start3A_22 = tpu.memref_slice %arg2[%dma_start3A_20, %dma_start3A_21] : memref<10112x128xf32, #tpu.memory_space<hbm>> -> memref<10112x128xf32, #tpu.memory_space<hbm>>
      tpu.enqueue_indirect_dma source(%dma_start3A_22 : memref<10112x128xf32, #tpu.memory_space<hbm>>) target(%arg9 : memref<128x128xf32, #tpu.memory_space<vmem>>) offsets(%dma_start3A_19 : memref<128xi32, #tpu.memory_space<vmem>>) semaphore(%arg11 : memref<!tpu.dma_semaphore, #tpu.memory_space<semaphore_mem>>)
      %dma_wait3A = arith.constant 0 : i32
      %dma_wait3A_23 = tpu.memref_slice %arg7[%while3A_17, %dma_wait3A] : memref<96x128xi32, #tpu.memory_space<vmem>> -> memref<1x128xi32, #tpu.memory_space<vmem>>
      %dma_wait3A_24 = tpu.memref_squeeze %dma_wait3A_23 : memref<1x128xi32, #tpu.memory_space<vmem>> -> memref<128xi32, #tpu.memory_space<vmem>>
      %dma_wait3A_25 = arith.constant 0 : i32
      %dma_wait3A_26 = arith.constant 0 : i32
      %dma_wait3A_27 = tpu.memref_slice %arg2[%dma_wait3A_25, %dma_wait3A_26] : memref<10112x128xf32, #tpu.memory_space<hbm>> -> memref<10112x128xf32, #tpu.memory_space<hbm>>
      tpu.wait_indirect_dma semaphore(%arg11 : memref<!tpu.dma_semaphore, #tpu.memory_space<semaphore_mem>>) src(%dma_wait3A_27 : memref<10112x128xf32, #tpu.memory_space<hbm>>) dst(%arg9 : memref<128x128xf32, #tpu.memory_space<vmem>>)
      "tpu.region"() ({
        %run_scoped3A = tpu.sem_alloc : memref<!tpu.dma_semaphore, #tpu.memory_space<semaphore_mem>>
        %dma_start3A_28 = arith.constant 0 : i32
        %dma_start3A_29 = tpu.memref_slice %arg8[%while3A_17, %dma_start3A_28] : memref<96x128xi32, #tpu.memory_space<vmem>> -> memref<1x128xi32, #tpu.memory_space<vmem>>
        %dma_start3A_30 = tpu.memref_squeeze %dma_start3A_29 : memref<1x128xi32, #tpu.memory_space<vmem>> -> memref<128xi32, #tpu.memory_space<vmem>>
        %dma_start3A_31 = arith.constant 0 : i32
        %dma_start3A_32 = arith.constant 0 : i32
        %dma_start3A_33 = tpu.memref_slice %arg10[%dma_start3A_31, %dma_start3A_32] : memref<10112x128xf32, #tpu.memory_space<vmem_shared>> -> memref<10112x128xf32, #tpu.memory_space<vmem_shared>>
        tpu.enqueue_indirect_dma source(%arg9 : memref<128x128xf32, #tpu.memory_space<vmem>>) target(%dma_start3A_33 : memref<10112x128xf32, #tpu.memory_space<vmem_shared>>) offsets(%dma_start3A_30 : memref<128xi32, #tpu.memory_space<vmem>>) semaphore(%run_scoped3A : memref<!tpu.dma_semaphore, #tpu.memory_space<semaphore_mem>>) {add = true}
        %dma_wait3A_34 = arith.constant 0 : i32
        %dma_wait3A_35 = tpu.memref_slice %arg8[%while3A_17, %dma_wait3A_34] : memref<96x128xi32, #tpu.memory_space<vmem>> -> memref<1x128xi32, #tpu.memory_space<vmem>>
        %dma_wait3A_36 = tpu.memref_squeeze %dma_wait3A_35 : memref<1x128xi32, #tpu.memory_space<vmem>> -> memref<128xi32, #tpu.memory_space<vmem>>
        %dma_wait3A_37 = arith.constant 0 : i32
        %dma_wait3A_38 = arith.constant 0 : i32
        %dma_wait3A_39 = tpu.memref_slice %arg10[%dma_wait3A_37, %dma_wait3A_38] : memref<10112x128xf32, #tpu.memory_space<vmem_shared>> -> memref<10112x128xf32, #tpu.memory_space<vmem_shared>>
        tpu.wait_indirect_dma semaphore(%run_scoped3A : memref<!tpu.dma_semaphore, #tpu.memory_space<semaphore_mem>>) src(%arg9 : memref<128x128xf32, #tpu.memory_space<vmem>>) dst(%dma_wait3A_39 : memref<10112x128xf32, #tpu.memory_space<vmem_shared>>)
        tpu.yield
      }) : () -> ()
    }
    %barrier3A_12 = arith.constant 0 : index
    tpu.barrier barrier_id(%barrier3A_12)
    %mul3A_13 = arith.constant 632 : i32
    %mul3A_14 = arith.muli %arg1, %mul3A_13 : i32
    %mul3A_15 = arith.constant 632 : i32
    %mul3A_16 = arith.muli %arg1, %mul3A_15 : i32
    "tpu.region"() ({
      %run_scoped3A = tpu.sem_alloc : memref<!tpu.dma_semaphore, #tpu.memory_space<semaphore_mem>>
      %dma_start3A = arith.constant 0 : i32
      %dma_start3A_17 = tpu.memref_slice %arg6[%arg0, %mul3A_16, %dma_start3A] : memref<2x10112x128xf32, #tpu.memory_space<hbm>> -> memref<1x632x128xf32, #tpu.memory_space<hbm>>
      %dma_start3A_18 = tpu.memref_squeeze %dma_start3A_17 : memref<1x632x128xf32, #tpu.memory_space<hbm>> -> memref<632x128xf32, #tpu.memory_space<hbm>>
      %dma_start3A_19 = arith.constant 0 : i32
      %dma_start3A_20 = tpu.memref_slice %arg10[%mul3A_14, %dma_start3A_19] : memref<10112x128xf32, #tpu.memory_space<vmem_shared>> -> memref<632x128xf32, #tpu.memory_space<vmem_shared>>
      tpu.enqueue_dma source(%dma_start3A_20 : memref<632x128xf32, #tpu.memory_space<vmem_shared>>) target(%dma_start3A_18 : memref<632x128xf32, #tpu.memory_space<hbm>>) target_semaphore(%run_scoped3A : memref<!tpu.dma_semaphore, #tpu.memory_space<semaphore_mem>>)
      %dma_wait3A = arith.constant 0 : i32
      %dma_wait3A_21 = tpu.memref_slice %arg6[%arg0, %mul3A_16, %dma_wait3A] : memref<2x10112x128xf32, #tpu.memory_space<hbm>> -> memref<1x632x128xf32, #tpu.memory_space<hbm>>
      %dma_wait3A_22 = tpu.memref_squeeze %dma_wait3A_21 : memref<1x632x128xf32, #tpu.memory_space<hbm>> -> memref<632x128xf32, #tpu.memory_space<hbm>>
      %dma_wait3A_23 = arith.constant 0 : i32
      %dma_wait3A_24 = tpu.memref_slice %arg10[%mul3A_14, %dma_wait3A_23] : memref<10112x128xf32, #tpu.memory_space<vmem_shared>> -> memref<632x128xf32, #tpu.memory_space<vmem_shared>>
      tpu.wait_dma2 semaphore(%run_scoped3A : memref<!tpu.dma_semaphore, #tpu.memory_space<semaphore_mem>>) src(%dma_wait3A_24 : memref<632x128xf32, #tpu.memory_space<vmem_shared>>) dst(%dma_wait3A_22 : memref<632x128xf32, #tpu.memory_space<hbm>>)
      tpu.yield
    }) : () -> ()
    return
  }
}

#map = affine_map<(d0, d1) -> (0, 0, 0, 0)>
#map1 = affine_map<(d0, d1) -> (0, 0)>
#map2 = affine_map<(d0, d1) -> (0, 0, 0)>
module attributes {stable_mosaic.version = 14 : i64} {
  func.func @_deg_kernel(%arg0: i32, %arg1: i32, %arg2: memref<16x2x96x128xi32, #tpu.memory_space<hbm>>, %arg3: memref<128x128xf32, #tpu.memory_space<hbm>>, %arg4: memref<632x128xf32, #tpu.memory_space<hbm>>, %arg5: memref<2x10112x128xf32, #tpu.memory_space<hbm>>, %arg6: memref<96x128xi32, #tpu.memory_space<vmem>>, %arg7: memref<128x128xf32, #tpu.memory_space<vmem>>, %arg8: memref<10112x128xf32, #tpu.memory_space<vmem_shared>>, %arg9: memref<!tpu.dma_semaphore, #tpu.memory_space<semaphore_mem>>) attributes {dimension_semantics = [#tpu.dimension_semantics<core_parallel>, #tpu.dimension_semantics<subcore_parallel>], iteration_bounds = array<i64: 2, 16>, scalar_prefetch = 0 : i64, scratch_operands = 4 : i64, tpu.core_type = #tpu.core_type<sc_vector_subcore>, window_params = [{transform_indices = #map}, {transform_indices = #map1}, {transform_indices = #map1}, {transform_indices = #map2}]} {
    %eq3A = arith.constant 0 : i32
    %eq3A_0 = arith.cmpi eq, %arg0, %eq3A : i32
    %jit3A = arith.constant 96 : i32
    %jit3A_1 = arith.constant 61 : i32
    %select_n3A = arith.select %eq3A_0, %jit3A, %jit3A_1 : i32
    %mul3A = arith.constant 632 : i32
    %mul3A_2 = arith.muli %arg1, %mul3A : i32
    "tpu.region"() ({
      %run_scoped3A = tpu.sem_alloc : memref<!tpu.dma_semaphore, #tpu.memory_space<semaphore_mem>>
      %dma_start3A = arith.constant 0 : i32
      %dma_start3A_27 = tpu.memref_slice %arg8[%mul3A_2, %dma_start3A] : memref<10112x128xf32, #tpu.memory_space<vmem_shared>> -> memref<632x128xf32, #tpu.memory_space<vmem_shared>>
      tpu.enqueue_dma source(%arg4 : memref<632x128xf32, #tpu.memory_space<hbm>>) target(%dma_start3A_27 : memref<632x128xf32, #tpu.memory_space<vmem_shared>>) target_semaphore(%run_scoped3A : memref<!tpu.dma_semaphore, #tpu.memory_space<semaphore_mem>>)
      %dma_wait3A = arith.constant 0 : i32
      %dma_wait3A_28 = tpu.memref_slice %arg8[%mul3A_2, %dma_wait3A] : memref<10112x128xf32, #tpu.memory_space<vmem_shared>> -> memref<632x128xf32, #tpu.memory_space<vmem_shared>>
      tpu.wait_dma2 semaphore(%run_scoped3A : memref<!tpu.dma_semaphore, #tpu.memory_space<semaphore_mem>>) src(%arg4 : memref<632x128xf32, #tpu.memory_space<hbm>>) dst(%dma_wait3A_28 : memref<632x128xf32, #tpu.memory_space<vmem_shared>>)
      tpu.yield
    }) : () -> ()
    "tpu.region"() ({
      %run_scoped3A = tpu.sem_alloc : memref<!tpu.dma_semaphore, #tpu.memory_space<semaphore_mem>>
      tpu.enqueue_dma source(%arg3 : memref<128x128xf32, #tpu.memory_space<hbm>>) target(%arg7 : memref<128x128xf32, #tpu.memory_space<vmem>>) target_semaphore(%run_scoped3A : memref<!tpu.dma_semaphore, #tpu.memory_space<semaphore_mem>>)
      tpu.wait_dma2 semaphore(%run_scoped3A : memref<!tpu.dma_semaphore, #tpu.memory_space<semaphore_mem>>) src(%arg3 : memref<128x128xf32, #tpu.memory_space<hbm>>) dst(%arg7 : memref<128x128xf32, #tpu.memory_space<vmem>>)
      tpu.yield
    }) : () -> ()
    "tpu.region"() ({
      %run_scoped3A = tpu.sem_alloc : memref<!tpu.dma_semaphore, #tpu.memory_space<semaphore_mem>>
      %dma_start3A = arith.constant 0 : i32
      %dma_start3A_27 = arith.constant 0 : i32
      %dma_start3A_28 = tpu.memref_slice %arg2[%arg1, %arg0, %dma_start3A, %dma_start3A_27] : memref<16x2x96x128xi32, #tpu.memory_space<hbm>> -> memref<1x1x96x128xi32, #tpu.memory_space<hbm>>
      %dma_start3A_29 = tpu.memref_squeeze %dma_start3A_28 : memref<1x1x96x128xi32, #tpu.memory_space<hbm>> -> memref<96x128xi32, #tpu.memory_space<hbm>>
      %dma_start3A_30 = arith.constant 0 : i32
      %dma_start3A_31 = arith.constant 0 : i32
      %dma_start3A_32 = tpu.memref_slice %arg2[%arg1, %arg0, %dma_start3A_30, %dma_start3A_31] : memref<16x2x96x128xi32, #tpu.memory_space<hbm>> -> memref<1x1x96x128xi32, #tpu.memory_space<hbm>>
      %dma_start3A_33 = tpu.memref_squeeze %dma_start3A_32 : memref<1x1x96x128xi32, #tpu.memory_space<hbm>> -> memref<96x128xi32, #tpu.memory_space<hbm>>
      tpu.enqueue_dma source(%dma_start3A_33 : memref<96x128xi32, #tpu.memory_space<hbm>>) target(%arg6 : memref<96x128xi32, #tpu.memory_space<vmem>>) target_semaphore(%run_scoped3A : memref<!tpu.dma_semaphore, #tpu.memory_space<semaphore_mem>>)
      %dma_wait3A = arith.constant 0 : i32
      %dma_wait3A_34 = arith.constant 0 : i32
      %dma_wait3A_35 = tpu.memref_slice %arg2[%arg1, %arg0, %dma_wait3A, %dma_wait3A_34] : memref<16x2x96x128xi32, #tpu.memory_space<hbm>> -> memref<1x1x96x128xi32, #tpu.memory_space<hbm>>
      %dma_wait3A_36 = tpu.memref_squeeze %dma_wait3A_35 : memref<1x1x96x128xi32, #tpu.memory_space<hbm>> -> memref<96x128xi32, #tpu.memory_space<hbm>>
      %dma_wait3A_37 = arith.constant 0 : i32
      %dma_wait3A_38 = arith.constant 0 : i32
      %dma_wait3A_39 = tpu.memref_slice %arg2[%arg1, %arg0, %dma_wait3A_37, %dma_wait3A_38] : memref<16x2x96x128xi32, #tpu.memory_space<hbm>> -> memref<1x1x96x128xi32, #tpu.memory_space<hbm>>
      %dma_wait3A_40 = tpu.memref_squeeze %dma_wait3A_39 : memref<1x1x96x128xi32, #tpu.memory_space<hbm>> -> memref<96x128xi32, #tpu.memory_space<hbm>>
      tpu.wait_dma2 semaphore(%run_scoped3A : memref<!tpu.dma_semaphore, #tpu.memory_space<semaphore_mem>>) src(%dma_wait3A_40 : memref<96x128xi32, #tpu.memory_space<hbm>>) dst(%arg6 : memref<96x128xi32, #tpu.memory_space<vmem>>)
      tpu.yield
    }) : () -> ()
    %barrier3A = arith.constant 0 : index
    tpu.barrier barrier_id(%barrier3A)
    %while3A = arith.constant 0 : i32
    %while3A_3 = arith.constant 0 : i32
    %while3A_4 = arith.subi %select_n3A, %while3A_3 : i32
    %while3A_5 = arith.addi %while3A_3, %while3A_4 : i32
    %while3A_6 = arith.constant 1 : i32
    %while3A_7 = arith.divsi %while3A_4, %while3A_6 : i32
    %while3A_8 = arith.muli %while3A_7, %while3A_6 : i32
    %while3A_9 = arith.addi %while3A_3, %while3A_8 : i32
    %while3A_10 = arith.constant 1 : i32
    scf.for %while3A_27 = %while3A_3 to %while3A_9 step %while3A_10  : i32 {
      %dma_start3A = arith.constant 0 : i32
      %dma_start3A_28 = tpu.memref_slice %arg6[%while3A_27, %dma_start3A] : memref<96x128xi32, #tpu.memory_space<vmem>> -> memref<1x128xi32, #tpu.memory_space<vmem>>
      %dma_start3A_29 = tpu.memref_squeeze %dma_start3A_28 : memref<1x128xi32, #tpu.memory_space<vmem>> -> memref<128xi32, #tpu.memory_space<vmem>>
      %dma_start3A_30 = arith.constant 0 : i32
      %dma_start3A_31 = arith.constant 0 : i32
      %dma_start3A_32 = tpu.memref_slice %arg8[%dma_start3A_30, %dma_start3A_31] : memref<10112x128xf32, #tpu.memory_space<vmem_shared>> -> memref<10112x128xf32, #tpu.memory_space<vmem_shared>>
      tpu.enqueue_indirect_dma source(%arg7 : memref<128x128xf32, #tpu.memory_space<vmem>>) target(%dma_start3A_32 : memref<10112x128xf32, #tpu.memory_space<vmem_shared>>) offsets(%dma_start3A_29 : memref<128xi32, #tpu.memory_space<vmem>>) semaphore(%arg9 : memref<!tpu.dma_semaphore, #tpu.memory_space<semaphore_mem>>) {add = true}
      %ge3A = arith.constant 8 : i32
      %ge3A_33 = arith.cmpi sge, %while3A_27, %ge3A : i32
      %convert_element_type3A = arith.extui %ge3A_33 : i1 to i32
      %cond3A = arith.constant 0 : i32
      %cond3A_34 = arith.cmpi ne, %convert_element_type3A, %cond3A : i32
      scf.if %cond3A_34 {
        %sub3A_35 = arith.constant 8 : i32
        %sub3A_36 = arith.subi %while3A_27, %sub3A_35 : i32
        %dma_wait3A = arith.constant 0 : i32
        %dma_wait3A_37 = tpu.memref_slice %arg6[%sub3A_36, %dma_wait3A] : memref<96x128xi32, #tpu.memory_space<vmem>> -> memref<1x128xi32, #tpu.memory_space<vmem>>
        %dma_wait3A_38 = tpu.memref_squeeze %dma_wait3A_37 : memref<1x128xi32, #tpu.memory_space<vmem>> -> memref<128xi32, #tpu.memory_space<vmem>>
        %dma_wait3A_39 = arith.constant 0 : i32
        %dma_wait3A_40 = arith.constant 0 : i32
        %dma_wait3A_41 = tpu.memref_slice %arg8[%dma_wait3A_39, %dma_wait3A_40] : memref<10112x128xf32, #tpu.memory_space<vmem_shared>> -> memref<10112x128xf32, #tpu.memory_space<vmem_shared>>
        tpu.wait_indirect_dma semaphore(%arg9 : memref<!tpu.dma_semaphore, #tpu.memory_space<semaphore_mem>>) src(%arg7 : memref<128x128xf32, #tpu.memory_space<vmem>>) dst(%dma_wait3A_41 : memref<10112x128xf32, #tpu.memory_space<vmem_shared>>)
      } else {
      }
    }
    %while3A_11 = arith.constant 1 : i32
    scf.for %while3A_27 = %while3A_9 to %while3A_5 step %while3A_11  : i32 {
      %dma_start3A = arith.constant 0 : i32
      %dma_start3A_28 = tpu.memref_slice %arg6[%while3A_27, %dma_start3A] : memref<96x128xi32, #tpu.memory_space<vmem>> -> memref<1x128xi32, #tpu.memory_space<vmem>>
      %dma_start3A_29 = tpu.memref_squeeze %dma_start3A_28 : memref<1x128xi32, #tpu.memory_space<vmem>> -> memref<128xi32, #tpu.memory_space<vmem>>
      %dma_start3A_30 = arith.constant 0 : i32
      %dma_start3A_31 = arith.constant 0 : i32
      %dma_start3A_32 = tpu.memref_slice %arg8[%dma_start3A_30, %dma_start3A_31] : memref<10112x128xf32, #tpu.memory_space<vmem_shared>> -> memref<10112x128xf32, #tpu.memory_space<vmem_shared>>
      tpu.enqueue_indirect_dma source(%arg7 : memref<128x128xf32, #tpu.memory_space<vmem>>) target(%dma_start3A_32 : memref<10112x128xf32, #tpu.memory_space<vmem_shared>>) offsets(%dma_start3A_29 : memref<128xi32, #tpu.memory_space<vmem>>) semaphore(%arg9 : memref<!tpu.dma_semaphore, #tpu.memory_space<semaphore_mem>>) {add = true}
      %ge3A = arith.constant 8 : i32
      %ge3A_33 = arith.cmpi sge, %while3A_27, %ge3A : i32
      %convert_element_type3A = arith.extui %ge3A_33 : i1 to i32
      %cond3A = arith.constant 0 : i32
      %cond3A_34 = arith.cmpi ne, %convert_element_type3A, %cond3A : i32
      scf.if %cond3A_34 {
        %sub3A_35 = arith.constant 8 : i32
        %sub3A_36 = arith.subi %while3A_27, %sub3A_35 : i32
        %dma_wait3A = arith.constant 0 : i32
        %dma_wait3A_37 = tpu.memref_slice %arg6[%sub3A_36, %dma_wait3A] : memref<96x128xi32, #tpu.memory_space<vmem>> -> memref<1x128xi32, #tpu.memory_space<vmem>>
        %dma_wait3A_38 = tpu.memref_squeeze %dma_wait3A_37 : memref<1x128xi32, #tpu.memory_space<vmem>> -> memref<128xi32, #tpu.memory_space<vmem>>
        %dma_wait3A_39 = arith.constant 0 : i32
        %dma_wait3A_40 = arith.constant 0 : i32
        %dma_wait3A_41 = tpu.memref_slice %arg8[%dma_wait3A_39, %dma_wait3A_40] : memref<10112x128xf32, #tpu.memory_space<vmem_shared>> -> memref<10112x128xf32, #tpu.memory_space<vmem_shared>>
        tpu.wait_indirect_dma semaphore(%arg9 : memref<!tpu.dma_semaphore, #tpu.memory_space<semaphore_mem>>) src(%arg7 : memref<128x128xf32, #tpu.memory_space<vmem>>) dst(%dma_wait3A_41 : memref<10112x128xf32, #tpu.memory_space<vmem_shared>>)
      } else {
      }
    }
    %sub3A = arith.constant 8 : i32
    %sub3A_12 = arith.subi %select_n3A, %sub3A : i32
    %while3A_13 = arith.constant 0 : i32
    %while3A_14 = arith.subi %select_n3A, %sub3A_12 : i32
    %while3A_15 = arith.addi %sub3A_12, %while3A_14 : i32
    %while3A_16 = arith.constant 1 : i32
    %while3A_17 = arith.divsi %while3A_14, %while3A_16 : i32
    %while3A_18 = arith.muli %while3A_17, %while3A_16 : i32
    %while3A_19 = arith.addi %sub3A_12, %while3A_18 : i32
    %while3A_20 = arith.constant 1 : i32
    scf.for %while3A_27 = %sub3A_12 to %while3A_19 step %while3A_20  : i32 {
      %dma_wait3A = arith.constant 0 : i32
      %dma_wait3A_28 = tpu.memref_slice %arg6[%while3A_27, %dma_wait3A] : memref<96x128xi32, #tpu.memory_space<vmem>> -> memref<1x128xi32, #tpu.memory_space<vmem>>
      %dma_wait3A_29 = tpu.memref_squeeze %dma_wait3A_28 : memref<1x128xi32, #tpu.memory_space<vmem>> -> memref<128xi32, #tpu.memory_space<vmem>>
      %dma_wait3A_30 = arith.constant 0 : i32
      %dma_wait3A_31 = arith.constant 0 : i32
      %dma_wait3A_32 = tpu.memref_slice %arg8[%dma_wait3A_30, %dma_wait3A_31] : memref<10112x128xf32, #tpu.memory_space<vmem_shared>> -> memref<10112x128xf32, #tpu.memory_space<vmem_shared>>
      tpu.wait_indirect_dma semaphore(%arg9 : memref<!tpu.dma_semaphore, #tpu.memory_space<semaphore_mem>>) src(%arg7 : memref<128x128xf32, #tpu.memory_space<vmem>>) dst(%dma_wait3A_32 : memref<10112x128xf32, #tpu.memory_space<vmem_shared>>)
    }
    %while3A_21 = arith.constant 1 : i32
    scf.for %while3A_27 = %while3A_19 to %while3A_15 step %while3A_21  : i32 {
      %dma_wait3A = arith.constant 0 : i32
      %dma_wait3A_28 = tpu.memref_slice %arg6[%while3A_27, %dma_wait3A] : memref<96x128xi32, #tpu.memory_space<vmem>> -> memref<1x128xi32, #tpu.memory_space<vmem>>
      %dma_wait3A_29 = tpu.memref_squeeze %dma_wait3A_28 : memref<1x128xi32, #tpu.memory_space<vmem>> -> memref<128xi32, #tpu.memory_space<vmem>>
      %dma_wait3A_30 = arith.constant 0 : i32
      %dma_wait3A_31 = arith.constant 0 : i32
      %dma_wait3A_32 = tpu.memref_slice %arg8[%dma_wait3A_30, %dma_wait3A_31] : memref<10112x128xf32, #tpu.memory_space<vmem_shared>> -> memref<10112x128xf32, #tpu.memory_space<vmem_shared>>
      tpu.wait_indirect_dma semaphore(%arg9 : memref<!tpu.dma_semaphore, #tpu.memory_space<semaphore_mem>>) src(%arg7 : memref<128x128xf32, #tpu.memory_space<vmem>>) dst(%dma_wait3A_32 : memref<10112x128xf32, #tpu.memory_space<vmem_shared>>)
    }
    %barrier3A_22 = arith.constant 0 : index
    tpu.barrier barrier_id(%barrier3A_22)
    %mul3A_23 = arith.constant 632 : i32
    %mul3A_24 = arith.muli %arg1, %mul3A_23 : i32
    %mul3A_25 = arith.constant 632 : i32
    %mul3A_26 = arith.muli %arg1, %mul3A_25 : i32
    "tpu.region"() ({
      %run_scoped3A = tpu.sem_alloc : memref<!tpu.dma_semaphore, #tpu.memory_space<semaphore_mem>>
      %dma_start3A = arith.constant 0 : i32
      %dma_start3A_27 = tpu.memref_slice %arg5[%arg0, %mul3A_26, %dma_start3A] : memref<2x10112x128xf32, #tpu.memory_space<hbm>> -> memref<1x632x128xf32, #tpu.memory_space<hbm>>
      %dma_start3A_28 = tpu.memref_squeeze %dma_start3A_27 : memref<1x632x128xf32, #tpu.memory_space<hbm>> -> memref<632x128xf32, #tpu.memory_space<hbm>>
      %dma_start3A_29 = arith.constant 0 : i32
      %dma_start3A_30 = tpu.memref_slice %arg8[%mul3A_24, %dma_start3A_29] : memref<10112x128xf32, #tpu.memory_space<vmem_shared>> -> memref<632x128xf32, #tpu.memory_space<vmem_shared>>
      tpu.enqueue_dma source(%dma_start3A_30 : memref<632x128xf32, #tpu.memory_space<vmem_shared>>) target(%dma_start3A_28 : memref<632x128xf32, #tpu.memory_space<hbm>>) target_semaphore(%run_scoped3A : memref<!tpu.dma_semaphore, #tpu.memory_space<semaphore_mem>>)
      %dma_wait3A = arith.constant 0 : i32
      %dma_wait3A_31 = tpu.memref_slice %arg5[%arg0, %mul3A_26, %dma_wait3A] : memref<2x10112x128xf32, #tpu.memory_space<hbm>> -> memref<1x632x128xf32, #tpu.memory_space<hbm>>
      %dma_wait3A_32 = tpu.memref_squeeze %dma_wait3A_31 : memref<1x632x128xf32, #tpu.memory_space<hbm>> -> memref<632x128xf32, #tpu.memory_space<hbm>>
      %dma_wait3A_33 = arith.constant 0 : i32
      %dma_wait3A_34 = tpu.memref_slice %arg8[%mul3A_24, %dma_wait3A_33] : memref<10112x128xf32, #tpu.memory_space<vmem_shared>> -> memref<632x128xf32, #tpu.memory_space<vmem_shared>>
      tpu.wait_dma2 semaphore(%run_scoped3A : memref<!tpu.dma_semaphore, #tpu.memory_space<semaphore_mem>>) src(%dma_wait3A_34 : memref<632x128xf32, #tpu.memory_space<vmem_shared>>) dst(%dma_wait3A_32 : memref<632x128xf32, #tpu.memory_space<hbm>>)
      tpu.yield
    }) : () -> ()
    return
  }
}

#map = affine_map<(d0, d1) -> (0, 0)>
#map1 = affine_map<(d0, d1) -> (0, 0, 0, 0)>
#map2 = affine_map<(d0, d1) -> (0, 0, 0)>
module attributes {stable_mosaic.version = 14 : i64} {
  func.func @_agg_kernel(%arg0: i32, %arg1: i32, %arg2: memref<10112x128xf32, #tpu.memory_space<hbm>>, %arg3: memref<16x2x96x128xi32, #tpu.memory_space<hbm>>, %arg4: memref<16x2x96x128xi32, #tpu.memory_space<hbm>>, %arg5: memref<632x128xf32, #tpu.memory_space<hbm>>, %arg6: memref<2x10112x128xf32, #tpu.memory_space<hbm>>, %arg7: memref<96x128xi32, #tpu.memory_space<vmem>>, %arg8: memref<96x128xi32, #tpu.memory_space<vmem>>, %arg9: memref<128x128xf32, #tpu.memory_space<vmem>>, %arg10: memref<10112x128xf32, #tpu.memory_space<vmem_shared>>, %arg11: memref<!tpu.dma_semaphore, #tpu.memory_space<semaphore_mem>>) attributes {dimension_semantics = [#tpu.dimension_semantics<core_parallel>, #tpu.dimension_semantics<subcore_parallel>], iteration_bounds = array<i64: 2, 16>, scalar_prefetch = 0 : i64, scratch_operands = 5 : i64, tpu.core_type = #tpu.core_type<sc_vector_subcore>, window_params = [{transform_indices = #map}, {transform_indices = #map1}, {transform_indices = #map1}, {transform_indices = #map}, {transform_indices = #map2}]} {
    %eq3A = arith.constant 0 : i32
    %eq3A_0 = arith.cmpi eq, %arg0, %eq3A : i32
    %jit3A = arith.constant 96 : i32
    %jit3A_1 = arith.constant 61 : i32
    %select_n3A = arith.select %eq3A_0, %jit3A, %jit3A_1 : i32
    %mul3A = arith.constant 632 : i32
    %mul3A_2 = arith.muli %arg1, %mul3A : i32
    "tpu.region"() ({
      %run_scoped3A = tpu.sem_alloc : memref<!tpu.dma_semaphore, #tpu.memory_space<semaphore_mem>>
      %dma_start3A = arith.constant 0 : i32
      %dma_start3A_17 = tpu.memref_slice %arg10[%mul3A_2, %dma_start3A] : memref<10112x128xf32, #tpu.memory_space<vmem_shared>> -> memref<632x128xf32, #tpu.memory_space<vmem_shared>>
      tpu.enqueue_dma source(%arg5 : memref<632x128xf32, #tpu.memory_space<hbm>>) target(%dma_start3A_17 : memref<632x128xf32, #tpu.memory_space<vmem_shared>>) target_semaphore(%run_scoped3A : memref<!tpu.dma_semaphore, #tpu.memory_space<semaphore_mem>>)
      %dma_wait3A = arith.constant 0 : i32
      %dma_wait3A_18 = tpu.memref_slice %arg10[%mul3A_2, %dma_wait3A] : memref<10112x128xf32, #tpu.memory_space<vmem_shared>> -> memref<632x128xf32, #tpu.memory_space<vmem_shared>>
      tpu.wait_dma2 semaphore(%run_scoped3A : memref<!tpu.dma_semaphore, #tpu.memory_space<semaphore_mem>>) src(%arg5 : memref<632x128xf32, #tpu.memory_space<hbm>>) dst(%dma_wait3A_18 : memref<632x128xf32, #tpu.memory_space<vmem_shared>>)
      tpu.yield
    }) : () -> ()
    "tpu.region"() ({
      %run_scoped3A = tpu.sem_alloc : memref<!tpu.dma_semaphore, #tpu.memory_space<semaphore_mem>>
      %dma_start3A = arith.constant 0 : i32
      %dma_start3A_17 = arith.constant 0 : i32
      %dma_start3A_18 = tpu.memref_slice %arg3[%arg1, %arg0, %dma_start3A, %dma_start3A_17] : memref<16x2x96x128xi32, #tpu.memory_space<hbm>> -> memref<1x1x96x128xi32, #tpu.memory_space<hbm>>
      %dma_start3A_19 = tpu.memref_squeeze %dma_start3A_18 : memref<1x1x96x128xi32, #tpu.memory_space<hbm>> -> memref<96x128xi32, #tpu.memory_space<hbm>>
      %dma_start3A_20 = arith.constant 0 : i32
      %dma_start3A_21 = arith.constant 0 : i32
      %dma_start3A_22 = tpu.memref_slice %arg3[%arg1, %arg0, %dma_start3A_20, %dma_start3A_21] : memref<16x2x96x128xi32, #tpu.memory_space<hbm>> -> memref<1x1x96x128xi32, #tpu.memory_space<hbm>>
      %dma_start3A_23 = tpu.memref_squeeze %dma_start3A_22 : memref<1x1x96x128xi32, #tpu.memory_space<hbm>> -> memref<96x128xi32, #tpu.memory_space<hbm>>
      tpu.enqueue_dma source(%dma_start3A_23 : memref<96x128xi32, #tpu.memory_space<hbm>>) target(%arg7 : memref<96x128xi32, #tpu.memory_space<vmem>>) target_semaphore(%run_scoped3A : memref<!tpu.dma_semaphore, #tpu.memory_space<semaphore_mem>>)
      %dma_wait3A = arith.constant 0 : i32
      %dma_wait3A_24 = arith.constant 0 : i32
      %dma_wait3A_25 = tpu.memref_slice %arg3[%arg1, %arg0, %dma_wait3A, %dma_wait3A_24] : memref<16x2x96x128xi32, #tpu.memory_space<hbm>> -> memref<1x1x96x128xi32, #tpu.memory_space<hbm>>
      %dma_wait3A_26 = tpu.memref_squeeze %dma_wait3A_25 : memref<1x1x96x128xi32, #tpu.memory_space<hbm>> -> memref<96x128xi32, #tpu.memory_space<hbm>>
      %dma_wait3A_27 = arith.constant 0 : i32
      %dma_wait3A_28 = arith.constant 0 : i32
      %dma_wait3A_29 = tpu.memref_slice %arg3[%arg1, %arg0, %dma_wait3A_27, %dma_wait3A_28] : memref<16x2x96x128xi32, #tpu.memory_space<hbm>> -> memref<1x1x96x128xi32, #tpu.memory_space<hbm>>
      %dma_wait3A_30 = tpu.memref_squeeze %dma_wait3A_29 : memref<1x1x96x128xi32, #tpu.memory_space<hbm>> -> memref<96x128xi32, #tpu.memory_space<hbm>>
      tpu.wait_dma2 semaphore(%run_scoped3A : memref<!tpu.dma_semaphore, #tpu.memory_space<semaphore_mem>>) src(%dma_wait3A_30 : memref<96x128xi32, #tpu.memory_space<hbm>>) dst(%arg7 : memref<96x128xi32, #tpu.memory_space<vmem>>)
      tpu.yield
    }) : () -> ()
    "tpu.region"() ({
      %run_scoped3A = tpu.sem_alloc : memref<!tpu.dma_semaphore, #tpu.memory_space<semaphore_mem>>
      %dma_start3A = arith.constant 0 : i32
      %dma_start3A_17 = arith.constant 0 : i32
      %dma_start3A_18 = tpu.memref_slice %arg4[%arg1, %arg0, %dma_start3A, %dma_start3A_17] : memref<16x2x96x128xi32, #tpu.memory_space<hbm>> -> memref<1x1x96x128xi32, #tpu.memory_space<hbm>>
      %dma_start3A_19 = tpu.memref_squeeze %dma_start3A_18 : memref<1x1x96x128xi32, #tpu.memory_space<hbm>> -> memref<96x128xi32, #tpu.memory_space<hbm>>
      %dma_start3A_20 = arith.constant 0 : i32
      %dma_start3A_21 = arith.constant 0 : i32
      %dma_start3A_22 = tpu.memref_slice %arg4[%arg1, %arg0, %dma_start3A_20, %dma_start3A_21] : memref<16x2x96x128xi32, #tpu.memory_space<hbm>> -> memref<1x1x96x128xi32, #tpu.memory_space<hbm>>
      %dma_start3A_23 = tpu.memref_squeeze %dma_start3A_22 : memref<1x1x96x128xi32, #tpu.memory_space<hbm>> -> memref<96x128xi32, #tpu.memory_space<hbm>>
      tpu.enqueue_dma source(%dma_start3A_23 : memref<96x128xi32, #tpu.memory_space<hbm>>) target(%arg8 : memref<96x128xi32, #tpu.memory_space<vmem>>) target_semaphore(%run_scoped3A : memref<!tpu.dma_semaphore, #tpu.memory_space<semaphore_mem>>)
      %dma_wait3A = arith.constant 0 : i32
      %dma_wait3A_24 = arith.constant 0 : i32
      %dma_wait3A_25 = tpu.memref_slice %arg4[%arg1, %arg0, %dma_wait3A, %dma_wait3A_24] : memref<16x2x96x128xi32, #tpu.memory_space<hbm>> -> memref<1x1x96x128xi32, #tpu.memory_space<hbm>>
      %dma_wait3A_26 = tpu.memref_squeeze %dma_wait3A_25 : memref<1x1x96x128xi32, #tpu.memory_space<hbm>> -> memref<96x128xi32, #tpu.memory_space<hbm>>
      %dma_wait3A_27 = arith.constant 0 : i32
      %dma_wait3A_28 = arith.constant 0 : i32
      %dma_wait3A_29 = tpu.memref_slice %arg4[%arg1, %arg0, %dma_wait3A_27, %dma_wait3A_28] : memref<16x2x96x128xi32, #tpu.memory_space<hbm>> -> memref<1x1x96x128xi32, #tpu.memory_space<hbm>>
      %dma_wait3A_30 = tpu.memref_squeeze %dma_wait3A_29 : memref<1x1x96x128xi32, #tpu.memory_space<hbm>> -> memref<96x128xi32, #tpu.memory_space<hbm>>
      tpu.wait_dma2 semaphore(%run_scoped3A : memref<!tpu.dma_semaphore, #tpu.memory_space<semaphore_mem>>) src(%dma_wait3A_30 : memref<96x128xi32, #tpu.memory_space<hbm>>) dst(%arg8 : memref<96x128xi32, #tpu.memory_space<vmem>>)
      tpu.yield
    }) : () -> ()
    %barrier3A = arith.constant 0 : index
    tpu.barrier barrier_id(%barrier3A)
    %while3A = arith.constant 0 : i32
    %while3A_3 = arith.constant 0 : i32
    %while3A_4 = arith.subi %select_n3A, %while3A_3 : i32
    %while3A_5 = arith.addi %while3A_3, %while3A_4 : i32
    %while3A_6 = arith.constant 1 : i32
    %while3A_7 = arith.divsi %while3A_4, %while3A_6 : i32
    %while3A_8 = arith.muli %while3A_7, %while3A_6 : i32
    %while3A_9 = arith.addi %while3A_3, %while3A_8 : i32
    %while3A_10 = arith.constant 1 : i32
    scf.for %while3A_17 = %while3A_3 to %while3A_9 step %while3A_10  : i32 {
      %dma_start3A = arith.constant 0 : i32
      %dma_start3A_18 = tpu.memref_slice %arg7[%while3A_17, %dma_start3A] : memref<96x128xi32, #tpu.memory_space<vmem>> -> memref<1x128xi32, #tpu.memory_space<vmem>>
      %dma_start3A_19 = tpu.memref_squeeze %dma_start3A_18 : memref<1x128xi32, #tpu.memory_space<vmem>> -> memref<128xi32, #tpu.memory_space<vmem>>
      %dma_start3A_20 = arith.constant 0 : i32
      %dma_start3A_21 = arith.constant 0 : i32
      %dma_start3A_22 = tpu.memref_slice %arg2[%dma_start3A_20, %dma_start3A_21] : memref<10112x128xf32, #tpu.memory_space<hbm>> -> memref<10112x128xf32, #tpu.memory_space<hbm>>
      tpu.enqueue_indirect_dma source(%dma_start3A_22 : memref<10112x128xf32, #tpu.memory_space<hbm>>) target(%arg9 : memref<128x128xf32, #tpu.memory_space<vmem>>) offsets(%dma_start3A_19 : memref<128xi32, #tpu.memory_space<vmem>>) semaphore(%arg11 : memref<!tpu.dma_semaphore, #tpu.memory_space<semaphore_mem>>)
      %dma_wait3A = arith.constant 0 : i32
      %dma_wait3A_23 = tpu.memref_slice %arg7[%while3A_17, %dma_wait3A] : memref<96x128xi32, #tpu.memory_space<vmem>> -> memref<1x128xi32, #tpu.memory_space<vmem>>
      %dma_wait3A_24 = tpu.memref_squeeze %dma_wait3A_23 : memref<1x128xi32, #tpu.memory_space<vmem>> -> memref<128xi32, #tpu.memory_space<vmem>>
      %dma_wait3A_25 = arith.constant 0 : i32
      %dma_wait3A_26 = arith.constant 0 : i32
      %dma_wait3A_27 = tpu.memref_slice %arg2[%dma_wait3A_25, %dma_wait3A_26] : memref<10112x128xf32, #tpu.memory_space<hbm>> -> memref<10112x128xf32, #tpu.memory_space<hbm>>
      tpu.wait_indirect_dma semaphore(%arg11 : memref<!tpu.dma_semaphore, #tpu.memory_space<semaphore_mem>>) src(%dma_wait3A_27 : memref<10112x128xf32, #tpu.memory_space<hbm>>) dst(%arg9 : memref<128x128xf32, #tpu.memory_space<vmem>>)
      "tpu.region"() ({
        %run_scoped3A = tpu.sem_alloc : memref<!tpu.dma_semaphore, #tpu.memory_space<semaphore_mem>>
        %dma_start3A_28 = arith.constant 0 : i32
        %dma_start3A_29 = tpu.memref_slice %arg8[%while3A_17, %dma_start3A_28] : memref<96x128xi32, #tpu.memory_space<vmem>> -> memref<1x128xi32, #tpu.memory_space<vmem>>
        %dma_start3A_30 = tpu.memref_squeeze %dma_start3A_29 : memref<1x128xi32, #tpu.memory_space<vmem>> -> memref<128xi32, #tpu.memory_space<vmem>>
        %dma_start3A_31 = arith.constant 0 : i32
        %dma_start3A_32 = arith.constant 0 : i32
        %dma_start3A_33 = tpu.memref_slice %arg10[%dma_start3A_31, %dma_start3A_32] : memref<10112x128xf32, #tpu.memory_space<vmem_shared>> -> memref<10112x128xf32, #tpu.memory_space<vmem_shared>>
        tpu.enqueue_indirect_dma source(%arg9 : memref<128x128xf32, #tpu.memory_space<vmem>>) target(%dma_start3A_33 : memref<10112x128xf32, #tpu.memory_space<vmem_shared>>) offsets(%dma_start3A_30 : memref<128xi32, #tpu.memory_space<vmem>>) semaphore(%run_scoped3A : memref<!tpu.dma_semaphore, #tpu.memory_space<semaphore_mem>>) {add = true}
        %dma_wait3A_34 = arith.constant 0 : i32
        %dma_wait3A_35 = tpu.memref_slice %arg8[%while3A_17, %dma_wait3A_34] : memref<96x128xi32, #tpu.memory_space<vmem>> -> memref<1x128xi32, #tpu.memory_space<vmem>>
        %dma_wait3A_36 = tpu.memref_squeeze %dma_wait3A_35 : memref<1x128xi32, #tpu.memory_space<vmem>> -> memref<128xi32, #tpu.memory_space<vmem>>
        %dma_wait3A_37 = arith.constant 0 : i32
        %dma_wait3A_38 = arith.constant 0 : i32
        %dma_wait3A_39 = tpu.memref_slice %arg10[%dma_wait3A_37, %dma_wait3A_38] : memref<10112x128xf32, #tpu.memory_space<vmem_shared>> -> memref<10112x128xf32, #tpu.memory_space<vmem_shared>>
        tpu.wait_indirect_dma semaphore(%run_scoped3A : memref<!tpu.dma_semaphore, #tpu.memory_space<semaphore_mem>>) src(%arg9 : memref<128x128xf32, #tpu.memory_space<vmem>>) dst(%dma_wait3A_39 : memref<10112x128xf32, #tpu.memory_space<vmem_shared>>)
        tpu.yield
      }) : () -> ()
    }
    %while3A_11 = arith.constant 1 : i32
    scf.for %while3A_17 = %while3A_9 to %while3A_5 step %while3A_11  : i32 {
      %dma_start3A = arith.constant 0 : i32
      %dma_start3A_18 = tpu.memref_slice %arg7[%while3A_17, %dma_start3A] : memref<96x128xi32, #tpu.memory_space<vmem>> -> memref<1x128xi32, #tpu.memory_space<vmem>>
      %dma_start3A_19 = tpu.memref_squeeze %dma_start3A_18 : memref<1x128xi32, #tpu.memory_space<vmem>> -> memref<128xi32, #tpu.memory_space<vmem>>
      %dma_start3A_20 = arith.constant 0 : i32
      %dma_start3A_21 = arith.constant 0 : i32
      %dma_start3A_22 = tpu.memref_slice %arg2[%dma_start3A_20, %dma_start3A_21] : memref<10112x128xf32, #tpu.memory_space<hbm>> -> memref<10112x128xf32, #tpu.memory_space<hbm>>
      tpu.enqueue_indirect_dma source(%dma_start3A_22 : memref<10112x128xf32, #tpu.memory_space<hbm>>) target(%arg9 : memref<128x128xf32, #tpu.memory_space<vmem>>) offsets(%dma_start3A_19 : memref<128xi32, #tpu.memory_space<vmem>>) semaphore(%arg11 : memref<!tpu.dma_semaphore, #tpu.memory_space<semaphore_mem>>)
      %dma_wait3A = arith.constant 0 : i32
      %dma_wait3A_23 = tpu.memref_slice %arg7[%while3A_17, %dma_wait3A] : memref<96x128xi32, #tpu.memory_space<vmem>> -> memref<1x128xi32, #tpu.memory_space<vmem>>
      %dma_wait3A_24 = tpu.memref_squeeze %dma_wait3A_23 : memref<1x128xi32, #tpu.memory_space<vmem>> -> memref<128xi32, #tpu.memory_space<vmem>>
      %dma_wait3A_25 = arith.constant 0 : i32
      %dma_wait3A_26 = arith.constant 0 : i32
      %dma_wait3A_27 = tpu.memref_slice %arg2[%dma_wait3A_25, %dma_wait3A_26] : memref<10112x128xf32, #tpu.memory_space<hbm>> -> memref<10112x128xf32, #tpu.memory_space<hbm>>
      tpu.wait_indirect_dma semaphore(%arg11 : memref<!tpu.dma_semaphore, #tpu.memory_space<semaphore_mem>>) src(%dma_wait3A_27 : memref<10112x128xf32, #tpu.memory_space<hbm>>) dst(%arg9 : memref<128x128xf32, #tpu.memory_space<vmem>>)
      "tpu.region"() ({
        %run_scoped3A = tpu.sem_alloc : memref<!tpu.dma_semaphore, #tpu.memory_space<semaphore_mem>>
        %dma_start3A_28 = arith.constant 0 : i32
        %dma_start3A_29 = tpu.memref_slice %arg8[%while3A_17, %dma_start3A_28] : memref<96x128xi32, #tpu.memory_space<vmem>> -> memref<1x128xi32, #tpu.memory_space<vmem>>
        %dma_start3A_30 = tpu.memref_squeeze %dma_start3A_29 : memref<1x128xi32, #tpu.memory_space<vmem>> -> memref<128xi32, #tpu.memory_space<vmem>>
        %dma_start3A_31 = arith.constant 0 : i32
        %dma_start3A_32 = arith.constant 0 : i32
        %dma_start3A_33 = tpu.memref_slice %arg10[%dma_start3A_31, %dma_start3A_32] : memref<10112x128xf32, #tpu.memory_space<vmem_shared>> -> memref<10112x128xf32, #tpu.memory_space<vmem_shared>>
        tpu.enqueue_indirect_dma source(%arg9 : memref<128x128xf32, #tpu.memory_space<vmem>>) target(%dma_start3A_33 : memref<10112x128xf32, #tpu.memory_space<vmem_shared>>) offsets(%dma_start3A_30 : memref<128xi32, #tpu.memory_space<vmem>>) semaphore(%run_scoped3A : memref<!tpu.dma_semaphore, #tpu.memory_space<semaphore_mem>>) {add = true}
        %dma_wait3A_34 = arith.constant 0 : i32
        %dma_wait3A_35 = tpu.memref_slice %arg8[%while3A_17, %dma_wait3A_34] : memref<96x128xi32, #tpu.memory_space<vmem>> -> memref<1x128xi32, #tpu.memory_space<vmem>>
        %dma_wait3A_36 = tpu.memref_squeeze %dma_wait3A_35 : memref<1x128xi32, #tpu.memory_space<vmem>> -> memref<128xi32, #tpu.memory_space<vmem>>
        %dma_wait3A_37 = arith.constant 0 : i32
        %dma_wait3A_38 = arith.constant 0 : i32
        %dma_wait3A_39 = tpu.memref_slice %arg10[%dma_wait3A_37, %dma_wait3A_38] : memref<10112x128xf32, #tpu.memory_space<vmem_shared>> -> memref<10112x128xf32, #tpu.memory_space<vmem_shared>>
        tpu.wait_indirect_dma semaphore(%run_scoped3A : memref<!tpu.dma_semaphore, #tpu.memory_space<semaphore_mem>>) src(%arg9 : memref<128x128xf32, #tpu.memory_space<vmem>>) dst(%dma_wait3A_39 : memref<10112x128xf32, #tpu.memory_space<vmem_shared>>)
        tpu.yield
      }) : () -> ()
    }
    %barrier3A_12 = arith.constant 0 : index
    tpu.barrier barrier_id(%barrier3A_12)
    %mul3A_13 = arith.constant 632 : i32
    %mul3A_14 = arith.muli %arg1, %mul3A_13 : i32
    %mul3A_15 = arith.constant 632 : i32
    %mul3A_16 = arith.muli %arg1, %mul3A_15 : i32
    "tpu.region"() ({
      %run_scoped3A = tpu.sem_alloc : memref<!tpu.dma_semaphore, #tpu.memory_space<semaphore_mem>>
      %dma_start3A = arith.constant 0 : i32
      %dma_start3A_17 = tpu.memref_slice %arg6[%arg0, %mul3A_16, %dma_start3A] : memref<2x10112x128xf32, #tpu.memory_space<hbm>> -> memref<1x632x128xf32, #tpu.memory_space<hbm>>
      %dma_start3A_18 = tpu.memref_squeeze %dma_start3A_17 : memref<1x632x128xf32, #tpu.memory_space<hbm>> -> memref<632x128xf32, #tpu.memory_space<hbm>>
      %dma_start3A_19 = arith.constant 0 : i32
      %dma_start3A_20 = tpu.memref_slice %arg10[%mul3A_14, %dma_start3A_19] : memref<10112x128xf32, #tpu.memory_space<vmem_shared>> -> memref<632x128xf32, #tpu.memory_space<vmem_shared>>
      tpu.enqueue_dma source(%dma_start3A_20 : memref<632x128xf32, #tpu.memory_space<vmem_shared>>) target(%dma_start3A_18 : memref<632x128xf32, #tpu.memory_space<hbm>>) target_semaphore(%run_scoped3A : memref<!tpu.dma_semaphore, #tpu.memory_space<semaphore_mem>>)
      %dma_wait3A = arith.constant 0 : i32
      %dma_wait3A_21 = tpu.memref_slice %arg6[%arg0, %mul3A_16, %dma_wait3A] : memref<2x10112x128xf32, #tpu.memory_space<hbm>> -> memref<1x632x128xf32, #tpu.memory_space<hbm>>
      %dma_wait3A_22 = tpu.memref_squeeze %dma_wait3A_21 : memref<1x632x128xf32, #tpu.memory_space<hbm>> -> memref<632x128xf32, #tpu.memory_space<hbm>>
      %dma_wait3A_23 = arith.constant 0 : i32
      %dma_wait3A_24 = tpu.memref_slice %arg10[%mul3A_14, %dma_wait3A_23] : memref<10112x128xf32, #tpu.memory_space<vmem_shared>> -> memref<632x128xf32, #tpu.memory_space<vmem_shared>>
      tpu.wait_dma2 semaphore(%run_scoped3A : memref<!tpu.dma_semaphore, #tpu.memory_space<semaphore_mem>>) src(%dma_wait3A_24 : memref<632x128xf32, #tpu.memory_space<vmem_shared>>) dst(%dma_wait3A_22 : memref<632x128xf32, #tpu.memory_space<hbm>>)
      tpu.yield
    }) : () -> ()
    return
  }
}

#map = affine_map<(d0, d1) -> (0, 0)>
#map1 = affine_map<(d0, d1) -> (0, 0, 0, 0)>
#map2 = affine_map<(d0, d1) -> (0, 0, 0)>
module attributes {stable_mosaic.version = 14 : i64} {
  func.func @_agg_kernel(%arg0: i32, %arg1: i32, %arg2: memref<10112x128xf32, #tpu.memory_space<hbm>>, %arg3: memref<16x2x96x128xi32, #tpu.memory_space<hbm>>, %arg4: memref<16x2x96x128xi32, #tpu.memory_space<hbm>>, %arg5: memref<632x128xf32, #tpu.memory_space<hbm>>, %arg6: memref<2x10112x128xf32, #tpu.memory_space<hbm>>, %arg7: memref<96x128xi32, #tpu.memory_space<vmem>>, %arg8: memref<96x128xi32, #tpu.memory_space<vmem>>, %arg9: memref<128x128xf32, #tpu.memory_space<vmem>>, %arg10: memref<10112x128xf32, #tpu.memory_space<vmem_shared>>, %arg11: memref<!tpu.dma_semaphore, #tpu.memory_space<semaphore_mem>>) attributes {dimension_semantics = [#tpu.dimension_semantics<core_parallel>, #tpu.dimension_semantics<subcore_parallel>], iteration_bounds = array<i64: 2, 16>, scalar_prefetch = 0 : i64, scratch_operands = 5 : i64, tpu.core_type = #tpu.core_type<sc_vector_subcore>, window_params = [{transform_indices = #map}, {transform_indices = #map1}, {transform_indices = #map1}, {transform_indices = #map}, {transform_indices = #map2}]} {
    %eq3A = arith.constant 0 : i32
    %eq3A_0 = arith.cmpi eq, %arg0, %eq3A : i32
    %jit3A = arith.constant 96 : i32
    %jit3A_1 = arith.constant 61 : i32
    %select_n3A = arith.select %eq3A_0, %jit3A, %jit3A_1 : i32
    %mul3A = arith.constant 632 : i32
    %mul3A_2 = arith.muli %arg1, %mul3A : i32
    "tpu.region"() ({
      %run_scoped3A = tpu.sem_alloc : memref<!tpu.dma_semaphore, #tpu.memory_space<semaphore_mem>>
      %dma_start3A = arith.constant 0 : i32
      %dma_start3A_17 = tpu.memref_slice %arg10[%mul3A_2, %dma_start3A] : memref<10112x128xf32, #tpu.memory_space<vmem_shared>> -> memref<632x128xf32, #tpu.memory_space<vmem_shared>>
      tpu.enqueue_dma source(%arg5 : memref<632x128xf32, #tpu.memory_space<hbm>>) target(%dma_start3A_17 : memref<632x128xf32, #tpu.memory_space<vmem_shared>>) target_semaphore(%run_scoped3A : memref<!tpu.dma_semaphore, #tpu.memory_space<semaphore_mem>>)
      %dma_wait3A = arith.constant 0 : i32
      %dma_wait3A_18 = tpu.memref_slice %arg10[%mul3A_2, %dma_wait3A] : memref<10112x128xf32, #tpu.memory_space<vmem_shared>> -> memref<632x128xf32, #tpu.memory_space<vmem_shared>>
      tpu.wait_dma2 semaphore(%run_scoped3A : memref<!tpu.dma_semaphore, #tpu.memory_space<semaphore_mem>>) src(%arg5 : memref<632x128xf32, #tpu.memory_space<hbm>>) dst(%dma_wait3A_18 : memref<632x128xf32, #tpu.memory_space<vmem_shared>>)
      tpu.yield
    }) : () -> ()
    "tpu.region"() ({
      %run_scoped3A = tpu.sem_alloc : memref<!tpu.dma_semaphore, #tpu.memory_space<semaphore_mem>>
      %dma_start3A = arith.constant 0 : i32
      %dma_start3A_17 = arith.constant 0 : i32
      %dma_start3A_18 = tpu.memref_slice %arg3[%arg1, %arg0, %dma_start3A, %dma_start3A_17] : memref<16x2x96x128xi32, #tpu.memory_space<hbm>> -> memref<1x1x96x128xi32, #tpu.memory_space<hbm>>
      %dma_start3A_19 = tpu.memref_squeeze %dma_start3A_18 : memref<1x1x96x128xi32, #tpu.memory_space<hbm>> -> memref<96x128xi32, #tpu.memory_space<hbm>>
      %dma_start3A_20 = arith.constant 0 : i32
      %dma_start3A_21 = arith.constant 0 : i32
      %dma_start3A_22 = tpu.memref_slice %arg3[%arg1, %arg0, %dma_start3A_20, %dma_start3A_21] : memref<16x2x96x128xi32, #tpu.memory_space<hbm>> -> memref<1x1x96x128xi32, #tpu.memory_space<hbm>>
      %dma_start3A_23 = tpu.memref_squeeze %dma_start3A_22 : memref<1x1x96x128xi32, #tpu.memory_space<hbm>> -> memref<96x128xi32, #tpu.memory_space<hbm>>
      tpu.enqueue_dma source(%dma_start3A_23 : memref<96x128xi32, #tpu.memory_space<hbm>>) target(%arg7 : memref<96x128xi32, #tpu.memory_space<vmem>>) target_semaphore(%run_scoped3A : memref<!tpu.dma_semaphore, #tpu.memory_space<semaphore_mem>>)
      %dma_wait3A = arith.constant 0 : i32
      %dma_wait3A_24 = arith.constant 0 : i32
      %dma_wait3A_25 = tpu.memref_slice %arg3[%arg1, %arg0, %dma_wait3A, %dma_wait3A_24] : memref<16x2x96x128xi32, #tpu.memory_space<hbm>> -> memref<1x1x96x128xi32, #tpu.memory_space<hbm>>
      %dma_wait3A_26 = tpu.memref_squeeze %dma_wait3A_25 : memref<1x1x96x128xi32, #tpu.memory_space<hbm>> -> memref<96x128xi32, #tpu.memory_space<hbm>>
      %dma_wait3A_27 = arith.constant 0 : i32
      %dma_wait3A_28 = arith.constant 0 : i32
      %dma_wait3A_29 = tpu.memref_slice %arg3[%arg1, %arg0, %dma_wait3A_27, %dma_wait3A_28] : memref<16x2x96x128xi32, #tpu.memory_space<hbm>> -> memref<1x1x96x128xi32, #tpu.memory_space<hbm>>
      %dma_wait3A_30 = tpu.memref_squeeze %dma_wait3A_29 : memref<1x1x96x128xi32, #tpu.memory_space<hbm>> -> memref<96x128xi32, #tpu.memory_space<hbm>>
      tpu.wait_dma2 semaphore(%run_scoped3A : memref<!tpu.dma_semaphore, #tpu.memory_space<semaphore_mem>>) src(%dma_wait3A_30 : memref<96x128xi32, #tpu.memory_space<hbm>>) dst(%arg7 : memref<96x128xi32, #tpu.memory_space<vmem>>)
      tpu.yield
    }) : () -> ()
    "tpu.region"() ({
      %run_scoped3A = tpu.sem_alloc : memref<!tpu.dma_semaphore, #tpu.memory_space<semaphore_mem>>
      %dma_start3A = arith.constant 0 : i32
      %dma_start3A_17 = arith.constant 0 : i32
      %dma_start3A_18 = tpu.memref_slice %arg4[%arg1, %arg0, %dma_start3A, %dma_start3A_17] : memref<16x2x96x128xi32, #tpu.memory_space<hbm>> -> memref<1x1x96x128xi32, #tpu.memory_space<hbm>>
      %dma_start3A_19 = tpu.memref_squeeze %dma_start3A_18 : memref<1x1x96x128xi32, #tpu.memory_space<hbm>> -> memref<96x128xi32, #tpu.memory_space<hbm>>
      %dma_start3A_20 = arith.constant 0 : i32
      %dma_start3A_21 = arith.constant 0 : i32
      %dma_start3A_22 = tpu.memref_slice %arg4[%arg1, %arg0, %dma_start3A_20, %dma_start3A_21] : memref<16x2x96x128xi32, #tpu.memory_space<hbm>> -> memref<1x1x96x128xi32, #tpu.memory_space<hbm>>
      %dma_start3A_23 = tpu.memref_squeeze %dma_start3A_22 : memref<1x1x96x128xi32, #tpu.memory_space<hbm>> -> memref<96x128xi32, #tpu.memory_space<hbm>>
      tpu.enqueue_dma source(%dma_start3A_23 : memref<96x128xi32, #tpu.memory_space<hbm>>) target(%arg8 : memref<96x128xi32, #tpu.memory_space<vmem>>) target_semaphore(%run_scoped3A : memref<!tpu.dma_semaphore, #tpu.memory_space<semaphore_mem>>)
      %dma_wait3A = arith.constant 0 : i32
      %dma_wait3A_24 = arith.constant 0 : i32
      %dma_wait3A_25 = tpu.memref_slice %arg4[%arg1, %arg0, %dma_wait3A, %dma_wait3A_24] : memref<16x2x96x128xi32, #tpu.memory_space<hbm>> -> memref<1x1x96x128xi32, #tpu.memory_space<hbm>>
      %dma_wait3A_26 = tpu.memref_squeeze %dma_wait3A_25 : memref<1x1x96x128xi32, #tpu.memory_space<hbm>> -> memref<96x128xi32, #tpu.memory_space<hbm>>
      %dma_wait3A_27 = arith.constant 0 : i32
      %dma_wait3A_28 = arith.constant 0 : i32
      %dma_wait3A_29 = tpu.memref_slice %arg4[%arg1, %arg0, %dma_wait3A_27, %dma_wait3A_28] : memref<16x2x96x128xi32, #tpu.memory_space<hbm>> -> memref<1x1x96x128xi32, #tpu.memory_space<hbm>>
      %dma_wait3A_30 = tpu.memref_squeeze %dma_wait3A_29 : memref<1x1x96x128xi32, #tpu.memory_space<hbm>> -> memref<96x128xi32, #tpu.memory_space<hbm>>
      tpu.wait_dma2 semaphore(%run_scoped3A : memref<!tpu.dma_semaphore, #tpu.memory_space<semaphore_mem>>) src(%dma_wait3A_30 : memref<96x128xi32, #tpu.memory_space<hbm>>) dst(%arg8 : memref<96x128xi32, #tpu.memory_space<vmem>>)
      tpu.yield
    }) : () -> ()
    %barrier3A = arith.constant 0 : index
    tpu.barrier barrier_id(%barrier3A)
    %while3A = arith.constant 0 : i32
    %while3A_3 = arith.constant 0 : i32
    %while3A_4 = arith.subi %select_n3A, %while3A_3 : i32
    %while3A_5 = arith.addi %while3A_3, %while3A_4 : i32
    %while3A_6 = arith.constant 1 : i32
    %while3A_7 = arith.divsi %while3A_4, %while3A_6 : i32
    %while3A_8 = arith.muli %while3A_7, %while3A_6 : i32
    %while3A_9 = arith.addi %while3A_3, %while3A_8 : i32
    %while3A_10 = arith.constant 1 : i32
    scf.for %while3A_17 = %while3A_3 to %while3A_9 step %while3A_10  : i32 {
      %dma_start3A = arith.constant 0 : i32
      %dma_start3A_18 = tpu.memref_slice %arg7[%while3A_17, %dma_start3A] : memref<96x128xi32, #tpu.memory_space<vmem>> -> memref<1x128xi32, #tpu.memory_space<vmem>>
      %dma_start3A_19 = tpu.memref_squeeze %dma_start3A_18 : memref<1x128xi32, #tpu.memory_space<vmem>> -> memref<128xi32, #tpu.memory_space<vmem>>
      %dma_start3A_20 = arith.constant 0 : i32
      %dma_start3A_21 = arith.constant 0 : i32
      %dma_start3A_22 = tpu.memref_slice %arg2[%dma_start3A_20, %dma_start3A_21] : memref<10112x128xf32, #tpu.memory_space<hbm>> -> memref<10112x128xf32, #tpu.memory_space<hbm>>
      tpu.enqueue_indirect_dma source(%dma_start3A_22 : memref<10112x128xf32, #tpu.memory_space<hbm>>) target(%arg9 : memref<128x128xf32, #tpu.memory_space<vmem>>) offsets(%dma_start3A_19 : memref<128xi32, #tpu.memory_space<vmem>>) semaphore(%arg11 : memref<!tpu.dma_semaphore, #tpu.memory_space<semaphore_mem>>)
      %dma_wait3A = arith.constant 0 : i32
      %dma_wait3A_23 = tpu.memref_slice %arg7[%while3A_17, %dma_wait3A] : memref<96x128xi32, #tpu.memory_space<vmem>> -> memref<1x128xi32, #tpu.memory_space<vmem>>
      %dma_wait3A_24 = tpu.memref_squeeze %dma_wait3A_23 : memref<1x128xi32, #tpu.memory_space<vmem>> -> memref<128xi32, #tpu.memory_space<vmem>>
      %dma_wait3A_25 = arith.constant 0 : i32
      %dma_wait3A_26 = arith.constant 0 : i32
      %dma_wait3A_27 = tpu.memref_slice %arg2[%dma_wait3A_25, %dma_wait3A_26] : memref<10112x128xf32, #tpu.memory_space<hbm>> -> memref<10112x128xf32, #tpu.memory_space<hbm>>
      tpu.wait_indirect_dma semaphore(%arg11 : memref<!tpu.dma_semaphore, #tpu.memory_space<semaphore_mem>>) src(%dma_wait3A_27 : memref<10112x128xf32, #tpu.memory_space<hbm>>) dst(%arg9 : memref<128x128xf32, #tpu.memory_space<vmem>>)
      "tpu.region"() ({
        %run_scoped3A = tpu.sem_alloc : memref<!tpu.dma_semaphore, #tpu.memory_space<semaphore_mem>>
        %dma_start3A_28 = arith.constant 0 : i32
        %dma_start3A_29 = tpu.memref_slice %arg8[%while3A_17, %dma_start3A_28] : memref<96x128xi32, #tpu.memory_space<vmem>> -> memref<1x128xi32, #tpu.memory_space<vmem>>
        %dma_start3A_30 = tpu.memref_squeeze %dma_start3A_29 : memref<1x128xi32, #tpu.memory_space<vmem>> -> memref<128xi32, #tpu.memory_space<vmem>>
        %dma_start3A_31 = arith.constant 0 : i32
        %dma_start3A_32 = arith.constant 0 : i32
        %dma_start3A_33 = tpu.memref_slice %arg10[%dma_start3A_31, %dma_start3A_32] : memref<10112x128xf32, #tpu.memory_space<vmem_shared>> -> memref<10112x128xf32, #tpu.memory_space<vmem_shared>>
        tpu.enqueue_indirect_dma source(%arg9 : memref<128x128xf32, #tpu.memory_space<vmem>>) target(%dma_start3A_33 : memref<10112x128xf32, #tpu.memory_space<vmem_shared>>) offsets(%dma_start3A_30 : memref<128xi32, #tpu.memory_space<vmem>>) semaphore(%run_scoped3A : memref<!tpu.dma_semaphore, #tpu.memory_space<semaphore_mem>>) {add = true}
        %dma_wait3A_34 = arith.constant 0 : i32
        %dma_wait3A_35 = tpu.memref_slice %arg8[%while3A_17, %dma_wait3A_34] : memref<96x128xi32, #tpu.memory_space<vmem>> -> memref<1x128xi32, #tpu.memory_space<vmem>>
        %dma_wait3A_36 = tpu.memref_squeeze %dma_wait3A_35 : memref<1x128xi32, #tpu.memory_space<vmem>> -> memref<128xi32, #tpu.memory_space<vmem>>
        %dma_wait3A_37 = arith.constant 0 : i32
        %dma_wait3A_38 = arith.constant 0 : i32
        %dma_wait3A_39 = tpu.memref_slice %arg10[%dma_wait3A_37, %dma_wait3A_38] : memref<10112x128xf32, #tpu.memory_space<vmem_shared>> -> memref<10112x128xf32, #tpu.memory_space<vmem_shared>>
        tpu.wait_indirect_dma semaphore(%run_scoped3A : memref<!tpu.dma_semaphore, #tpu.memory_space<semaphore_mem>>) src(%arg9 : memref<128x128xf32, #tpu.memory_space<vmem>>) dst(%dma_wait3A_39 : memref<10112x128xf32, #tpu.memory_space<vmem_shared>>)
        tpu.yield
      }) : () -> ()
    }
    %while3A_11 = arith.constant 1 : i32
    scf.for %while3A_17 = %while3A_9 to %while3A_5 step %while3A_11  : i32 {
      %dma_start3A = arith.constant 0 : i32
      %dma_start3A_18 = tpu.memref_slice %arg7[%while3A_17, %dma_start3A] : memref<96x128xi32, #tpu.memory_space<vmem>> -> memref<1x128xi32, #tpu.memory_space<vmem>>
      %dma_start3A_19 = tpu.memref_squeeze %dma_start3A_18 : memref<1x128xi32, #tpu.memory_space<vmem>> -> memref<128xi32, #tpu.memory_space<vmem>>
      %dma_start3A_20 = arith.constant 0 : i32
      %dma_start3A_21 = arith.constant 0 : i32
      %dma_start3A_22 = tpu.memref_slice %arg2[%dma_start3A_20, %dma_start3A_21] : memref<10112x128xf32, #tpu.memory_space<hbm>> -> memref<10112x128xf32, #tpu.memory_space<hbm>>
      tpu.enqueue_indirect_dma source(%dma_start3A_22 : memref<10112x128xf32, #tpu.memory_space<hbm>>) target(%arg9 : memref<128x128xf32, #tpu.memory_space<vmem>>) offsets(%dma_start3A_19 : memref<128xi32, #tpu.memory_space<vmem>>) semaphore(%arg11 : memref<!tpu.dma_semaphore, #tpu.memory_space<semaphore_mem>>)
      %dma_wait3A = arith.constant 0 : i32
      %dma_wait3A_23 = tpu.memref_slice %arg7[%while3A_17, %dma_wait3A] : memref<96x128xi32, #tpu.memory_space<vmem>> -> memref<1x128xi32, #tpu.memory_space<vmem>>
      %dma_wait3A_24 = tpu.memref_squeeze %dma_wait3A_23 : memref<1x128xi32, #tpu.memory_space<vmem>> -> memref<128xi32, #tpu.memory_space<vmem>>
      %dma_wait3A_25 = arith.constant 0 : i32
      %dma_wait3A_26 = arith.constant 0 : i32
      %dma_wait3A_27 = tpu.memref_slice %arg2[%dma_wait3A_25, %dma_wait3A_26] : memref<10112x128xf32, #tpu.memory_space<hbm>> -> memref<10112x128xf32, #tpu.memory_space<hbm>>
      tpu.wait_indirect_dma semaphore(%arg11 : memref<!tpu.dma_semaphore, #tpu.memory_space<semaphore_mem>>) src(%dma_wait3A_27 : memref<10112x128xf32, #tpu.memory_space<hbm>>) dst(%arg9 : memref<128x128xf32, #tpu.memory_space<vmem>>)
      "tpu.region"() ({
        %run_scoped3A = tpu.sem_alloc : memref<!tpu.dma_semaphore, #tpu.memory_space<semaphore_mem>>
        %dma_start3A_28 = arith.constant 0 : i32
        %dma_start3A_29 = tpu.memref_slice %arg8[%while3A_17, %dma_start3A_28] : memref<96x128xi32, #tpu.memory_space<vmem>> -> memref<1x128xi32, #tpu.memory_space<vmem>>
        %dma_start3A_30 = tpu.memref_squeeze %dma_start3A_29 : memref<1x128xi32, #tpu.memory_space<vmem>> -> memref<128xi32, #tpu.memory_space<vmem>>
        %dma_start3A_31 = arith.constant 0 : i32
        %dma_start3A_32 = arith.constant 0 : i32
        %dma_start3A_33 = tpu.memref_slice %arg10[%dma_start3A_31, %dma_start3A_32] : memref<10112x128xf32, #tpu.memory_space<vmem_shared>> -> memref<10112x128xf32, #tpu.memory_space<vmem_shared>>
        tpu.enqueue_indirect_dma source(%arg9 : memref<128x128xf32, #tpu.memory_space<vmem>>) target(%dma_start3A_33 : memref<10112x128xf32, #tpu.memory_space<vmem_shared>>) offsets(%dma_start3A_30 : memref<128xi32, #tpu.memory_space<vmem>>) semaphore(%run_scoped3A : memref<!tpu.dma_semaphore, #tpu.memory_space<semaphore_mem>>) {add = true}
        %dma_wait3A_34 = arith.constant 0 : i32
        %dma_wait3A_35 = tpu.memref_slice %arg8[%while3A_17, %dma_wait3A_34] : memref<96x128xi32, #tpu.memory_space<vmem>> -> memref<1x128xi32, #tpu.memory_space<vmem>>
        %dma_wait3A_36 = tpu.memref_squeeze %dma_wait3A_35 : memref<1x128xi32, #tpu.memory_space<vmem>> -> memref<128xi32, #tpu.memory_space<vmem>>
        %dma_wait3A_37 = arith.constant 0 : i32
        %dma_wait3A_38 = arith.constant 0 : i32
        %dma_wait3A_39 = tpu.memref_slice %arg10[%dma_wait3A_37, %dma_wait3A_38] : memref<10112x128xf32, #tpu.memory_space<vmem_shared>> -> memref<10112x128xf32, #tpu.memory_space<vmem_shared>>
        tpu.wait_indirect_dma semaphore(%run_scoped3A : memref<!tpu.dma_semaphore, #tpu.memory_space<semaphore_mem>>) src(%arg9 : memref<128x128xf32, #tpu.memory_space<vmem>>) dst(%dma_wait3A_39 : memref<10112x128xf32, #tpu.memory_space<vmem_shared>>)
        tpu.yield
      }) : () -> ()
    }
    %barrier3A_12 = arith.constant 0 : index
    tpu.barrier barrier_id(%barrier3A_12)
    %mul3A_13 = arith.constant 632 : i32
    %mul3A_14 = arith.muli %arg1, %mul3A_13 : i32
    %mul3A_15 = arith.constant 632 : i32
    %mul3A_16 = arith.muli %arg1, %mul3A_15 : i32
    "tpu.region"() ({
      %run_scoped3A = tpu.sem_alloc : memref<!tpu.dma_semaphore, #tpu.memory_space<semaphore_mem>>
      %dma_start3A = arith.constant 0 : i32
      %dma_start3A_17 = tpu.memref_slice %arg6[%arg0, %mul3A_16, %dma_start3A] : memref<2x10112x128xf32, #tpu.memory_space<hbm>> -> memref<1x632x128xf32, #tpu.memory_space<hbm>>
      %dma_start3A_18 = tpu.memref_squeeze %dma_start3A_17 : memref<1x632x128xf32, #tpu.memory_space<hbm>> -> memref<632x128xf32, #tpu.memory_space<hbm>>
      %dma_start3A_19 = arith.constant 0 : i32
      %dma_start3A_20 = tpu.memref_slice %arg10[%mul3A_14, %dma_start3A_19] : memref<10112x128xf32, #tpu.memory_space<vmem_shared>> -> memref<632x128xf32, #tpu.memory_space<vmem_shared>>
      tpu.enqueue_dma source(%dma_start3A_20 : memref<632x128xf32, #tpu.memory_space<vmem_shared>>) target(%dma_start3A_18 : memref<632x128xf32, #tpu.memory_space<hbm>>) target_semaphore(%run_scoped3A : memref<!tpu.dma_semaphore, #tpu.memory_space<semaphore_mem>>)
      %dma_wait3A = arith.constant 0 : i32
      %dma_wait3A_21 = tpu.memref_slice %arg6[%arg0, %mul3A_16, %dma_wait3A] : memref<2x10112x128xf32, #tpu.memory_space<hbm>> -> memref<1x632x128xf32, #tpu.memory_space<hbm>>
      %dma_wait3A_22 = tpu.memref_squeeze %dma_wait3A_21 : memref<1x632x128xf32, #tpu.memory_space<hbm>> -> memref<632x128xf32, #tpu.memory_space<hbm>>
      %dma_wait3A_23 = arith.constant 0 : i32
      %dma_wait3A_24 = tpu.memref_slice %arg10[%mul3A_14, %dma_wait3A_23] : memref<10112x128xf32, #tpu.memory_space<vmem_shared>> -> memref<632x128xf32, #tpu.memory_space<vmem_shared>>
      tpu.wait_dma2 semaphore(%run_scoped3A : memref<!tpu.dma_semaphore, #tpu.memory_space<semaphore_mem>>) src(%dma_wait3A_24 : memref<632x128xf32, #tpu.memory_space<vmem_shared>>) dst(%dma_wait3A_22 : memref<632x128xf32, #tpu.memory_space<hbm>>)
      tpu.yield
    }) : () -> ()
    return
  }
}

module attributes {stable_mosaic.version = 14 : i64} {
  func.func @_pre_body(%arg0: memref<10000x128xf32, #tpu.memory_space<vmem>>, %arg1: memref<128x128xf32, #tpu.memory_space<vmem>>, %arg2: memref<2x10112x128xf32, #tpu.memory_space<vmem>>, %arg3: memref<10112x128xf32, #tpu.memory_space<vmem>>) attributes {dimension_semantics = [], scalar_prefetch = 0 : i64, scratch_operands = 0 : i64, tpu.core_type = #tpu.core_type<tc>} {
    %get3A = arith.constant 0 : index
    %get3A_0 = arith.constant 0 : index
    %get3A_1 = arith.constant 0 : index
    %get3A_2 = vector.load %arg2[%get3A, %get3A_0, %get3A_1] : memref<2x10112x128xf32, #tpu.memory_space<vmem>>, vector<1x10000x1xf32>
    %get3A_3 = vector.shape_cast %get3A_2 : vector<1x10000x1xf32> to vector<10000x1xf32>
    %get3A_4 = arith.constant 1 : index
    %get3A_5 = arith.constant 0 : index
    %get3A_6 = arith.constant 0 : index
    %get3A_7 = vector.load %arg2[%get3A_4, %get3A_5, %get3A_6] : memref<2x10112x128xf32, #tpu.memory_space<vmem>>, vector<1x10000x1xf32>
    %get3A_8 = vector.shape_cast %get3A_7 : vector<1x10000x1xf32> to vector<10000x1xf32>
    %add3A = arith.addf %get3A_3, %get3A_8 : vector<10000x1xf32>
    %add3A_9 = arith.constant 1.000000e+00 : f32
    %add3A_10 = vector.broadcast %add3A_9 : f32 to vector<10000x1xf32>
    %add3A_11 = arith.addf %add3A, %add3A_10 : vector<10000x1xf32>
    %rsqrt3A = math.rsqrt %add3A_11 : vector<10000x1xf32>
    %get3A_12 = arith.constant 0 : index
    %get3A_13 = arith.constant 0 : index
    %get3A_14 = vector.load %arg0[%get3A_12, %get3A_13] : memref<10000x128xf32, #tpu.memory_space<vmem>>, vector<10000x128xf32>
    %get3A_15 = arith.constant 0 : index
    %get3A_16 = arith.constant 0 : index
    %get3A_17 = vector.load %arg1[%get3A_15, %get3A_16] : memref<128x128xf32, #tpu.memory_space<vmem>>, vector<128x128xf32>
    %dot_general3A = arith.constant dense<0.000000e+00> : vector<10000x128xf32>
    %dot_general3A_18 = tpu.matmul %get3A_14, %get3A_17, %dot_general3A {dimension_numbers = #tpu.dot_dimension_numbers<[1], [0], [0], [1], [0, 0, 1, 1], [], []>, transpose_lhs_hint = false} : vector<10000x128xf32>, vector<128x128xf32>, vector<10000x128xf32> -> vector<10000x128xf32>
    %mul3A = vector.broadcast %rsqrt3A : vector<10000x1xf32> to vector<10000x128xf32>
    %mul3A_19 = arith.mulf %dot_general3A_18, %mul3A : vector<10000x128xf32>
    %broadcast_in_dim3A = arith.constant 0.000000e+00 : f32
    %broadcast_in_dim3A_20 = vector.broadcast %broadcast_in_dim3A : f32 to vector<112x128xf32>
    %concatenate3A = tpu.concatenate %mul3A_19, %broadcast_in_dim3A_20 in 0 : vector<10000x128xf32>, vector<112x128xf32> -> vector<10112x128xf32>
    %swap3A = arith.constant 0 : index
    %swap3A_21 = arith.constant 0 : index
    %swap3A_22 = vector.load %arg3[%swap3A, %swap3A_21] : memref<10112x128xf32, #tpu.memory_space<vmem>>, vector<10112x128xf32>
    tpu.vector_store %arg3[%swap3A, %swap3A_21], %concatenate3A {strides = array<i32>} : memref<10112x128xf32, #tpu.memory_space<vmem>>, vector<10112x128xf32>,
    return
  }
}

module attributes {stable_mosaic.version = 14 : i64} {
  func.func @_mid_body(%arg0: memref<2x10112x128xf32, #tpu.memory_space<vmem>>, %arg1: memref<10112x128xf32, #tpu.memory_space<vmem>>, %arg2: memref<2x10112x128xf32, #tpu.memory_space<vmem>>, %arg3: memref<128xf32, #tpu.memory_space<vmem>>, %arg4: memref<128xf32, #tpu.memory_space<vmem>>, %arg5: memref<128xf32, #tpu.memory_space<vmem>>, %arg6: memref<128x128xf32, #tpu.memory_space<vmem>>, %arg7: memref<10112x128xf32, #tpu.memory_space<vmem>>) attributes {dimension_semantics = [], scalar_prefetch = 0 : i64, scratch_operands = 0 : i64, tpu.core_type = #tpu.core_type<tc>} {
    %get3A = arith.constant 0 : index
    %get3A_0 = arith.constant 0 : index
    %get3A_1 = arith.constant 0 : index
    %get3A_2 = vector.load %arg2[%get3A, %get3A_0, %get3A_1] : memref<2x10112x128xf32, #tpu.memory_space<vmem>>, vector<1x10000x1xf32>
    %get3A_3 = vector.shape_cast %get3A_2 : vector<1x10000x1xf32> to vector<10000x1xf32>
    %get3A_4 = arith.constant 1 : index
    %get3A_5 = arith.constant 0 : index
    %get3A_6 = arith.constant 0 : index
    %get3A_7 = vector.load %arg2[%get3A_4, %get3A_5, %get3A_6] : memref<2x10112x128xf32, #tpu.memory_space<vmem>>, vector<1x10000x1xf32>
    %get3A_8 = vector.shape_cast %get3A_7 : vector<1x10000x1xf32> to vector<10000x1xf32>
    %add3A = arith.addf %get3A_3, %get3A_8 : vector<10000x1xf32>
    %add3A_9 = arith.constant 1.000000e+00 : f32
    %add3A_10 = vector.broadcast %add3A_9 : f32 to vector<10000x1xf32>
    %add3A_11 = arith.addf %add3A, %add3A_10 : vector<10000x1xf32>
    %rsqrt3A = math.rsqrt %add3A_11 : vector<10000x1xf32>
    %get3A_12 = arith.constant 0 : index
    %get3A_13 = arith.constant 0 : index
    %get3A_14 = arith.constant 0 : index
    %get3A_15 = vector.load %arg0[%get3A_12, %get3A_13, %get3A_14] : memref<2x10112x128xf32, #tpu.memory_space<vmem>>, vector<1x10000x128xf32>
    %get3A_16 = vector.shape_cast %get3A_15 : vector<1x10000x128xf32> to vector<10000x128xf32>
    %get3A_17 = arith.constant 1 : index
    %get3A_18 = arith.constant 0 : index
    %get3A_19 = arith.constant 0 : index
    %get3A_20 = vector.load %arg0[%get3A_17, %get3A_18, %get3A_19] : memref<2x10112x128xf32, #tpu.memory_space<vmem>>, vector<1x10000x128xf32>
    %get3A_21 = vector.shape_cast %get3A_20 : vector<1x10000x128xf32> to vector<10000x128xf32>
    %add3A_22 = arith.addf %get3A_16, %get3A_21 : vector<10000x128xf32>
    %get3A_23 = arith.constant 0 : index
    %get3A_24 = arith.constant 0 : index
    %get3A_25 = vector.load %arg1[%get3A_23, %get3A_24] : memref<10112x128xf32, #tpu.memory_space<vmem>>, vector<10000x128xf32>
    %add3A_26 = arith.addf %add3A_22, %get3A_25 : vector<10000x128xf32>
    %mul3A = vector.broadcast %rsqrt3A : vector<10000x1xf32> to vector<10000x128xf32>
    %mul3A_27 = arith.mulf %add3A_26, %mul3A : vector<10000x128xf32>
    %get3A_28 = arith.constant 0 : index
    %get3A_29 = vector.load %arg3[%get3A_28] : memref<128xf32, #tpu.memory_space<vmem>>, vector<128xf32>
    %broadcast_in_dim3A = vector.shape_cast %get3A_29 : vector<128xf32> to vector<1x128xf32>
    %add3A_30 = vector.broadcast %broadcast_in_dim3A : vector<1x128xf32> to vector<10000x128xf32>
    %add3A_31 = arith.addf %mul3A_27, %add3A_30 : vector<10000x128xf32>
    %reduce_sum3A = arith.constant dense<0.000000e+00> : vector<128xf32>
    %reduce_sum3A_32 = vector.multi_reduction <add>, %add3A_31, %reduce_sum3A [0] : vector<10000x128xf32> to vector<128xf32>
    %broadcast_in_dim3A_33 = vector.shape_cast %reduce_sum3A_32 : vector<128xf32> to vector<1x128xf32>
    %div3A = arith.constant 1.000000e+04 : f32
    %div3A_34 = vector.broadcast %div3A : f32 to vector<1x128xf32>
    %div3A_35 = arith.divf %broadcast_in_dim3A_33, %div3A_34 : vector<1x128xf32>
    %sub3A = vector.broadcast %div3A_35 : vector<1x128xf32> to vector<10000x128xf32>
    %sub3A_36 = arith.subf %add3A_31, %sub3A : vector<10000x128xf32>
    %integer_pow3A = arith.mulf %sub3A_36, %sub3A_36 : vector<10000x128xf32>
    %reduce_sum3A_37 = arith.constant dense<0.000000e+00> : vector<128xf32>
    %reduce_sum3A_38 = vector.multi_reduction <add>, %integer_pow3A, %reduce_sum3A_37 [0] : vector<10000x128xf32> to vector<128xf32>
    %broadcast_in_dim3A_39 = vector.shape_cast %reduce_sum3A_38 : vector<128xf32> to vector<1x128xf32>
    %div3A_40 = arith.constant 1.000000e+04 : f32
    %div3A_41 = vector.broadcast %div3A_40 : f32 to vector<1x128xf32>
    %div3A_42 = arith.divf %broadcast_in_dim3A_39, %div3A_41 : vector<1x128xf32>
    %sub3A_43 = vector.broadcast %div3A_35 : vector<1x128xf32> to vector<10000x128xf32>
    %sub3A_44 = arith.subf %add3A_31, %sub3A_43 : vector<10000x128xf32>
    %add3A_45 = arith.constant 9.99999974E-6 : f32
    %add3A_46 = vector.broadcast %add3A_45 : f32 to vector<1x128xf32>
    %add3A_47 = arith.addf %div3A_42, %add3A_46 : vector<1x128xf32>
    %rsqrt3A_48 = math.rsqrt %add3A_47 : vector<1x128xf32>
    %mul3A_49 = vector.broadcast %rsqrt3A_48 : vector<1x128xf32> to vector<10000x128xf32>
    %mul3A_50 = arith.mulf %sub3A_44, %mul3A_49 : vector<10000x128xf32>
    %get3A_51 = arith.constant 0 : index
    %get3A_52 = vector.load %arg4[%get3A_51] : memref<128xf32, #tpu.memory_space<vmem>>, vector<128xf32>
    %broadcast_in_dim3A_53 = vector.shape_cast %get3A_52 : vector<128xf32> to vector<1x128xf32>
    %mul3A_54 = vector.broadcast %broadcast_in_dim3A_53 : vector<1x128xf32> to vector<10000x128xf32>
    %mul3A_55 = arith.mulf %mul3A_50, %mul3A_54 : vector<10000x128xf32>
    %get3A_56 = arith.constant 0 : index
    %get3A_57 = vector.load %arg5[%get3A_56] : memref<128xf32, #tpu.memory_space<vmem>>, vector<128xf32>
    %broadcast_in_dim3A_58 = vector.shape_cast %get3A_57 : vector<128xf32> to vector<1x128xf32>
    %add3A_59 = vector.broadcast %broadcast_in_dim3A_58 : vector<1x128xf32> to vector<10000x128xf32>
    %add3A_60 = arith.addf %mul3A_55, %add3A_59 : vector<10000x128xf32>
    %ge3A = arith.constant 0.000000e+00 : f32
    %ge3A_61 = vector.broadcast %ge3A : f32 to vector<10000x128xf32>
    %ge3A_62 = arith.cmpf oge, %add3A_60, %ge3A_61 : vector<10000x128xf32>
    %mul3A_63 = arith.constant 0.00999999977 : f32
    %mul3A_64 = vector.broadcast %mul3A_63 : f32 to vector<10000x128xf32>
    %mul3A_65 = arith.mulf %mul3A_64, %add3A_60 : vector<10000x128xf32>
    %select_n3A = arith.select %ge3A_62, %add3A_60, %mul3A_65 : vector<10000x128xi1>, vector<10000x128xf32>
    %get3A_66 = arith.constant 0 : index
    %get3A_67 = arith.constant 0 : index
    %get3A_68 = vector.load %arg6[%get3A_66, %get3A_67] : memref<128x128xf32, #tpu.memory_space<vmem>>, vector<128x128xf32>
    %dot_general3A = arith.constant dense<0.000000e+00> : vector<10000x128xf32>
    %dot_general3A_69 = tpu.matmul %select_n3A, %get3A_68, %dot_general3A {dimension_numbers = #tpu.dot_dimension_numbers<[1], [0], [0], [1], [0, 0, 1, 1], [], []>, transpose_lhs_hint = false} : vector<10000x128xf32>, vector<128x128xf32>, vector<10000x128xf32> -> vector<10000x128xf32>
    %mul3A_70 = vector.broadcast %rsqrt3A : vector<10000x1xf32> to vector<10000x128xf32>
    %mul3A_71 = arith.mulf %dot_general3A_69, %mul3A_70 : vector<10000x128xf32>
    %broadcast_in_dim3A_72 = arith.constant 0.000000e+00 : f32
    %broadcast_in_dim3A_73 = vector.broadcast %broadcast_in_dim3A_72 : f32 to vector<112x128xf32>
    %concatenate3A = tpu.concatenate %mul3A_71, %broadcast_in_dim3A_73 in 0 : vector<10000x128xf32>, vector<112x128xf32> -> vector<10112x128xf32>
    %swap3A = arith.constant 0 : index
    %swap3A_74 = arith.constant 0 : index
    %swap3A_75 = vector.load %arg7[%swap3A, %swap3A_74] : memref<10112x128xf32, #tpu.memory_space<vmem>>, vector<10112x128xf32>
    tpu.vector_store %arg7[%swap3A, %swap3A_74], %concatenate3A {strides = array<i32>} : memref<10112x128xf32, #tpu.memory_space<vmem>>, vector<10112x128xf32>,
    return
  }
}

module attributes {stable_mosaic.version = 14 : i64} {
  func.func @_fin_body(%arg0: memref<2x10112x128xf32, #tpu.memory_space<vmem>>, %arg1: memref<10112x128xf32, #tpu.memory_space<vmem>>, %arg2: memref<2x10112x128xf32, #tpu.memory_space<vmem>>, %arg3: memref<128xf32, #tpu.memory_space<vmem>>, %arg4: memref<128xf32, #tpu.memory_space<vmem>>, %arg5: memref<128xf32, #tpu.memory_space<vmem>>, %arg6: memref<128x40xf32, #tpu.memory_space<vmem>>, %arg7: memref<40xf32, #tpu.memory_space<vmem>>, %arg8: memref<10000x40xf32, #tpu.memory_space<vmem>>) attributes {dimension_semantics = [], scalar_prefetch = 0 : i64, scratch_operands = 0 : i64, tpu.core_type = #tpu.core_type<tc>} {
    %get3A = arith.constant 0 : index
    %get3A_0 = arith.constant 0 : index
    %get3A_1 = arith.constant 0 : index
    %get3A_2 = vector.load %arg2[%get3A, %get3A_0, %get3A_1] : memref<2x10112x128xf32, #tpu.memory_space<vmem>>, vector<1x10000x1xf32>
    %get3A_3 = vector.shape_cast %get3A_2 : vector<1x10000x1xf32> to vector<10000x1xf32>
    %get3A_4 = arith.constant 1 : index
    %get3A_5 = arith.constant 0 : index
    %get3A_6 = arith.constant 0 : index
    %get3A_7 = vector.load %arg2[%get3A_4, %get3A_5, %get3A_6] : memref<2x10112x128xf32, #tpu.memory_space<vmem>>, vector<1x10000x1xf32>
    %get3A_8 = vector.shape_cast %get3A_7 : vector<1x10000x1xf32> to vector<10000x1xf32>
    %add3A = arith.addf %get3A_3, %get3A_8 : vector<10000x1xf32>
    %add3A_9 = arith.constant 1.000000e+00 : f32
    %add3A_10 = vector.broadcast %add3A_9 : f32 to vector<10000x1xf32>
    %add3A_11 = arith.addf %add3A, %add3A_10 : vector<10000x1xf32>
    %rsqrt3A = math.rsqrt %add3A_11 : vector<10000x1xf32>
    %get3A_12 = arith.constant 0 : index
    %get3A_13 = arith.constant 0 : index
    %get3A_14 = arith.constant 0 : index
    %get3A_15 = vector.load %arg0[%get3A_12, %get3A_13, %get3A_14] : memref<2x10112x128xf32, #tpu.memory_space<vmem>>, vector<1x10000x128xf32>
    %get3A_16 = vector.shape_cast %get3A_15 : vector<1x10000x128xf32> to vector<10000x128xf32>
    %get3A_17 = arith.constant 1 : index
    %get3A_18 = arith.constant 0 : index
    %get3A_19 = arith.constant 0 : index
    %get3A_20 = vector.load %arg0[%get3A_17, %get3A_18, %get3A_19] : memref<2x10112x128xf32, #tpu.memory_space<vmem>>, vector<1x10000x128xf32>
    %get3A_21 = vector.shape_cast %get3A_20 : vector<1x10000x128xf32> to vector<10000x128xf32>
    %add3A_22 = arith.addf %get3A_16, %get3A_21 : vector<10000x128xf32>
    %get3A_23 = arith.constant 0 : index
    %get3A_24 = arith.constant 0 : index
    %get3A_25 = vector.load %arg1[%get3A_23, %get3A_24] : memref<10112x128xf32, #tpu.memory_space<vmem>>, vector<10000x128xf32>
    %add3A_26 = arith.addf %add3A_22, %get3A_25 : vector<10000x128xf32>
    %mul3A = vector.broadcast %rsqrt3A : vector<10000x1xf32> to vector<10000x128xf32>
    %mul3A_27 = arith.mulf %add3A_26, %mul3A : vector<10000x128xf32>
    %get3A_28 = arith.constant 0 : index
    %get3A_29 = vector.load %arg3[%get3A_28] : memref<128xf32, #tpu.memory_space<vmem>>, vector<128xf32>
    %broadcast_in_dim3A = vector.shape_cast %get3A_29 : vector<128xf32> to vector<1x128xf32>
    %add3A_30 = vector.broadcast %broadcast_in_dim3A : vector<1x128xf32> to vector<10000x128xf32>
    %add3A_31 = arith.addf %mul3A_27, %add3A_30 : vector<10000x128xf32>
    %reduce_sum3A = arith.constant dense<0.000000e+00> : vector<128xf32>
    %reduce_sum3A_32 = vector.multi_reduction <add>, %add3A_31, %reduce_sum3A [0] : vector<10000x128xf32> to vector<128xf32>
    %broadcast_in_dim3A_33 = vector.shape_cast %reduce_sum3A_32 : vector<128xf32> to vector<1x128xf32>
    %div3A = arith.constant 1.000000e+04 : f32
    %div3A_34 = vector.broadcast %div3A : f32 to vector<1x128xf32>
    %div3A_35 = arith.divf %broadcast_in_dim3A_33, %div3A_34 : vector<1x128xf32>
    %sub3A = vector.broadcast %div3A_35 : vector<1x128xf32> to vector<10000x128xf32>
    %sub3A_36 = arith.subf %add3A_31, %sub3A : vector<10000x128xf32>
    %integer_pow3A = arith.mulf %sub3A_36, %sub3A_36 : vector<10000x128xf32>
    %reduce_sum3A_37 = arith.constant dense<0.000000e+00> : vector<128xf32>
    %reduce_sum3A_38 = vector.multi_reduction <add>, %integer_pow3A, %reduce_sum3A_37 [0] : vector<10000x128xf32> to vector<128xf32>
    %broadcast_in_dim3A_39 = vector.shape_cast %reduce_sum3A_38 : vector<128xf32> to vector<1x128xf32>
    %div3A_40 = arith.constant 1.000000e+04 : f32
    %div3A_41 = vector.broadcast %div3A_40 : f32 to vector<1x128xf32>
    %div3A_42 = arith.divf %broadcast_in_dim3A_39, %div3A_41 : vector<1x128xf32>
    %sub3A_43 = vector.broadcast %div3A_35 : vector<1x128xf32> to vector<10000x128xf32>
    %sub3A_44 = arith.subf %add3A_31, %sub3A_43 : vector<10000x128xf32>
    %add3A_45 = arith.constant 9.99999974E-6 : f32
    %add3A_46 = vector.broadcast %add3A_45 : f32 to vector<1x128xf32>
    %add3A_47 = arith.addf %div3A_42, %add3A_46 : vector<1x128xf32>
    %rsqrt3A_48 = math.rsqrt %add3A_47 : vector<1x128xf32>
    %mul3A_49 = vector.broadcast %rsqrt3A_48 : vector<1x128xf32> to vector<10000x128xf32>
    %mul3A_50 = arith.mulf %sub3A_44, %mul3A_49 : vector<10000x128xf32>
    %get3A_51 = arith.constant 0 : index
    %get3A_52 = vector.load %arg4[%get3A_51] : memref<128xf32, #tpu.memory_space<vmem>>, vector<128xf32>
    %broadcast_in_dim3A_53 = vector.shape_cast %get3A_52 : vector<128xf32> to vector<1x128xf32>
    %mul3A_54 = vector.broadcast %broadcast_in_dim3A_53 : vector<1x128xf32> to vector<10000x128xf32>
    %mul3A_55 = arith.mulf %mul3A_50, %mul3A_54 : vector<10000x128xf32>
    %get3A_56 = arith.constant 0 : index
    %get3A_57 = vector.load %arg5[%get3A_56] : memref<128xf32, #tpu.memory_space<vmem>>, vector<128xf32>
    %broadcast_in_dim3A_58 = vector.shape_cast %get3A_57 : vector<128xf32> to vector<1x128xf32>
    %add3A_59 = vector.broadcast %broadcast_in_dim3A_58 : vector<1x128xf32> to vector<10000x128xf32>
    %add3A_60 = arith.addf %mul3A_55, %add3A_59 : vector<10000x128xf32>
    %ge3A = arith.constant 0.000000e+00 : f32
    %ge3A_61 = vector.broadcast %ge3A : f32 to vector<10000x128xf32>
    %ge3A_62 = arith.cmpf oge, %add3A_60, %ge3A_61 : vector<10000x128xf32>
    %mul3A_63 = arith.constant 0.00999999977 : f32
    %mul3A_64 = vector.broadcast %mul3A_63 : f32 to vector<10000x128xf32>
    %mul3A_65 = arith.mulf %mul3A_64, %add3A_60 : vector<10000x128xf32>
    %select_n3A = arith.select %ge3A_62, %add3A_60, %mul3A_65 : vector<10000x128xi1>, vector<10000x128xf32>
    %get3A_66 = arith.constant 0 : index
    %get3A_67 = arith.constant 0 : index
    %get3A_68 = vector.load %arg6[%get3A_66, %get3A_67] : memref<128x40xf32, #tpu.memory_space<vmem>>, vector<128x40xf32>
    %dot_general3A = arith.constant dense<0.000000e+00> : vector<10000x40xf32>
    %dot_general3A_69 = tpu.matmul %select_n3A, %get3A_68, %dot_general3A {dimension_numbers = #tpu.dot_dimension_numbers<[1], [0], [0], [1], [0, 0, 1, 1], [], []>, transpose_lhs_hint = false} : vector<10000x128xf32>, vector<128x40xf32>, vector<10000x40xf32> -> vector<10000x40xf32>
    %get3A_70 = arith.constant 0 : index
    %get3A_71 = vector.load %arg7[%get3A_70] : memref<40xf32, #tpu.memory_space<vmem>>, vector<40xf32>
    %broadcast_in_dim3A_72 = vector.shape_cast %get3A_71 : vector<40xf32> to vector<1x40xf32>
    %add3A_73 = vector.broadcast %broadcast_in_dim3A_72 : vector<1x40xf32> to vector<10000x40xf32>
    %add3A_74 = arith.addf %dot_general3A_69, %add3A_73 : vector<10000x40xf32>
    %reduce_max3A = arith.constant dense<0xFF800000> : vector<10000xf32>
    %reduce_max3A_75 = vector.multi_reduction <maximumf>, %add3A_74, %reduce_max3A [1] : vector<10000x40xf32> to vector<10000xf32>
    %broadcast_in_dim3A_76 = vector.shape_cast %reduce_max3A_75 : vector<10000xf32> to vector<10000x1xf32>
    %sub3A_77 = vector.broadcast %broadcast_in_dim3A_76 : vector<10000x1xf32> to vector<10000x40xf32>
    %sub3A_78 = arith.subf %add3A_74, %sub3A_77 : vector<10000x40xf32>
    %exp3A = math.exp %sub3A_78 : vector<10000x40xf32>
    %reduce_sum3A_79 = arith.constant dense<0.000000e+00> : vector<10000xf32>
    %reduce_sum3A_80 = vector.multi_reduction <add>, %exp3A, %reduce_sum3A_79 [1] : vector<10000x40xf32> to vector<10000xf32>
    %broadcast_in_dim3A_81 = vector.shape_cast %reduce_sum3A_80 : vector<10000xf32> to vector<10000x1xf32>
    %log3A = math.log %broadcast_in_dim3A_81 : vector<10000x1xf32>
    %sub3A_82 = vector.broadcast %log3A : vector<10000x1xf32> to vector<10000x40xf32>
    %sub3A_83 = arith.subf %sub3A_78, %sub3A_82 : vector<10000x40xf32>
    %swap3A = arith.constant 0 : index
    %swap3A_84 = arith.constant 0 : index
    %swap3A_85 = vector.load %arg8[%swap3A, %swap3A_84] : memref<10000x40xf32, #tpu.memory_space<vmem>>, vector<10000x40xf32>
    tpu.vector_store %arg8[%swap3A, %swap3A_84], %sub3A_83 {strides = array<i32>} : memref<10000x40xf32, #tpu.memory_space<vmem>>, vector<10000x40xf32>,
    return
  }
}

</mosaic_0001>

<sc_bundles>
// kernel: kernel.10.cloned.1.call-start
scs
__scs_entry_jumppad:
0x0: {  	(pc) =	sbr.rel $0x88, $3  }
0x1: {  	(tag) =	ssettag $0x0;
	lr =	simm.s32 $0x1  }
0x2: {  	[smem:$0x3F91] =	sst lr;
	_ =	strace $0xD0000000  }
0x3: {  	_ = 	snop  }
0x4: {  	_ = 	snop  }
0x5: {  	_ = 	snop  }
0x6: {  	_ = 	snop  }
0x7: {  	_ = 	snop  }
__scs_overlays_trampoline_lowered:
0x8: {  	[smem:$0x3FA0] =	sst s0  }
0x9: {  	[smem:$0x3FA1] =	sst s1  }
0xa: {  	[smem:$0x3FA2] =	sst s2  }
0xb: {  	[smem:$0x3FA3] =	sst s3  }
0xc: {  	[smem:$0x3FA4] =	sst s4  }
0xd: {  	[smem:$0x3FA5] =	sst s5  }
0xe: {  	[smem:$0x3FA6] =	sst s6  }
0xf: {  	[smem:$0x3FA7] =	sst s7  }
0x10: {  	[smem:$0x3FA8] =	sst s8  }
0x11: {  	[smem:$0x3FA9] =	sst s9;
	s0 =	simm.s32 @!p0 $0x0  }
0x12: {  	s1 =	sld [smem:$0x3F8F];
	s0 =	simm.s32 @p0 $0x1  }
0x13: {  	[smem:$0x3FAA] =	sst s0;
	s0 =	simm.s32 @!p1 $0x0  }
0x14: {  	s2 =	sld [smem:$0x3F8E];
	s0 =	simm.s32 @p1 $0x1  }
0x15: {  	[smem:$0x3FAB] =	sst s0;
	s0 =	simm.s32 @!p2 $0x0  }
0x16: {  	s3 =	sld [smem:$0x3FDB];
	s0 =	simm.s32 @p2 $0x1  }
0x17: {  	s4 =	simm.s32 $0x1BF5;
	[smem:$0x3FAD] =	sst s0  }
0x18: {  	s0 =	sld [smem:$0x3F90];
	_ =	swait.ge [sflag:s4], $0x0  }
0x19: {  	s7 =	sld [smem:$0x3F91]  }
0x1a: {  	s8 =	sadd.s32 $0xFFFFE003, lr  }
0x1b: {  	s9 =	sadd.s32 $0xFFFFFEF7, lr;
	s5 =	simm.s32 $0xFFFFFFFF;
	p2 =	slt.u32 s8, $0xFFFFF086  }
0x1c: {  	p1 =	slt.u32 s9, $0xF7A;
	s5 =	simm.s32 @!p2 $0x0  }
0x1d: {  	s5 =	simm.s32 @p1 $0x1;
	p0 =	seq.s32 s7, s2  }
0x1e: {  	s7 =	smul.u32 @!p0 $0xF7A, s2;
	p2 =	seq.s32 @!p0 s5, $0x0  }
0x1f: {  	s9 =	smul.u32 $0xF7A, s1;
	s8 =	simm.s32 @!p0 $0x1BF5;
	p2 =	por !p2, p0  }
0x20: {  	[sflag:s8] =	ssyncset.s32 @!p0 $0xFFFFF086;
	s6 =	sadd.s32 @!p0 s3, s7;
	s7 =	simm.s32 @!p0 $0x108  }
0x21: {  	s3 =	sadd.s32 s3, s9;
	s6 =	sadd.s32 @!p0 $0x88, s6;
	s7 =	simm.s32 @p2 $0x1082  }
0x22: {  	[simem:s7], [sflag:s8] =	dma.local @!p0 [hbm:s6], $0xF7A  }
0x23: {  	s9 =	sor.u32 $0xD0000000, s2;
	s6 =	simm.s32 $0x108;
	_ =	swait.ge @!p0 [sflag:s8], $0x0  }
0x24: {  	s3 =	sadd.s32 $0x88, s3;
	s6 =	simm.s32 @!p1 $0x1082;
	[sflag:s4] =	ssyncset.s32 $0xFFFFF086  }
0x25: {  	[simem:s6], [sflag:s4] =	dma.local [hbm:s3], $0xF7A  }
0x26: {  	[smem:$0x3F91] =	sst s1;
	(tag) =	ssettag s2;
	_ =	strace s9  }
0x27: {  	s1 =	sld [smem:$0x3FA1]  }
0x28: {  	s2 =	sld [smem:$0x3FA2]  }
0x29: {  	s4 =	sld [smem:$0x3FA4]  }
0x2a: {  	p0 =	seq.s32 s5, $0x0;
	s5 =	sld [smem:$0x3FA5]  }
0x2b: {  	s6 =	sld [smem:$0x3FA6]  }
0x2c: {  	s7 =	sld [smem:$0x3FA7]  }
0x2d: {  	s3 =	simm.s32 $0x108;
	s8 =	sld [smem:$0x3FA8]  }
0x2e: {  	s3 =	simm.s32 @!p0 $0x1082;
	s9 =	sld [smem:$0x3FA9]  }
0x2f: {  	lr =	sadd.s32 s0, s3;
	s0 =	sld [smem:$0x3FA0]  }
0x30: {  	s3 =	sld [smem:$0x3FA3]  }
0x31: {  	[smem:$0x3FAC] =	sst s10  }
0x32: {  	s10 =	sld [smem:$0x3FAA];
	_ =	sdelay $0x3  }
0x33: {  	p0 =	seq.s32 s10, $0x1;
	s10 =	sld [smem:$0x3FAC];
	_ =	sdelay $0x3  }
0x34: {  	[smem:$0x3FAC] =	sst s10  }
0x35: {  	s10 =	sld [smem:$0x3FAB];
	_ =	sdelay $0x3  }
0x36: {  	p1 =	seq.s32 s10, $0x1;
	s10 =	sld [smem:$0x3FAC];
	_ =	sdelay $0x3  }
0x37: {  	[smem:$0x3FAC] =	sst s10  }
0x38: {  	s10 =	sld [smem:$0x3FAD]  }
0x39: {  	_ = 	snop;
	(pc) =	sbr.ind lr, $3  }
0x3a: {  	_ = 	snop  }
0x3b: {  	_ = 	snop  }
0x3c: {  	p2 =	seq.s32 s10, $0x1;
	s10 =	sld [smem:$0x3FAC]  }
0x3d: {  	_ =	shalt  }
0x3e: {  	_ =	shalt  }
0x3f: {  	_ =	shalt  }
0x40: {  	_ =	shalt  }
0x41: {  	_ =	shalt  }
0x42: {  	_ =	shalt  }
0x43: {  	_ =	shalt  }
0x44: {  	_ =	shalt  }
0x45: {  	_ =	shalt  }
0x46: {  	_ =	shalt  }
0x47: {  	_ =	shalt  }
0x48: {  	_ =	shalt  }
0x49: {  	_ =	shalt  }
0x4a: {  	_ =	shalt  }
0x4b: {  	_ =	shalt  }
0x4c: {  	_ =	shalt  }
0x4d: {  	_ =	shalt  }
0x4e: {  	_ =	shalt  }
0x4f: {  	_ =	shalt  }
0x50: {  	_ =	shalt  }
0x51: {  	_ =	shalt  }
0x52: {  	_ =	shalt  }
0x53: {  	_ =	shalt  }
0x54: {  	_ =	shalt  }
0x55: {  	_ =	shalt  }
0x56: {  	_ =	shalt  }
0x57: {  	_ =	shalt  }
0x58: {  	_ =	shalt  }
0x59: {  	_ =	shalt  }
0x5a: {  	_ =	shalt  }
0x5b: {  	_ =	shalt  }
0x5c: {  	_ =	shalt  }
0x5d: {  	_ =	shalt  }
0x5e: {  	_ =	shalt  }
0x5f: {  	_ =	shalt  }
0x60: {  	_ =	shalt  }
0x61: {  	_ =	shalt  }
0x62: {  	_ =	shalt  }
0x63: {  	_ =	shalt  }
0x64: {  	_ =	shalt  }
0x65: {  	_ =	shalt  }
0x66: {  	_ =	shalt  }
0x67: {  	_ =	shalt  }
0x68: {  	_ =	shalt  }
0x69: {  	_ =	shalt  }
0x6a: {  	_ =	shalt  }
0x6b: {  	_ =	shalt  }
0x6c: {  	_ =	shalt  }
0x6d: {  	_ =	shalt  }
0x6e: {  	_ =	shalt  }
0x6f: {  	_ =	shalt  }
0x70: {  	_ =	shalt  }
0x71: {  	_ =	shalt  }
0x72: {  	_ =	shalt  }
0x73: {  	_ =	shalt  }
0x74: {  	_ =	shalt  }
0x75: {  	_ =	shalt  }
0x76: {  	_ =	shalt  }
0x77: {  	_ =	shalt  }
0x78: {  	_ =	shalt  }
0x79: {  	_ =	shalt  }
0x7a: {  	_ =	shalt  }
0x7b: {  	_ =	shalt  }
0x7c: {  	_ =	shalt  }
0x7d: {  	_ =	shalt  }
0x7e: {  	_ =	shalt  }
0x7f: {  	_ =	shalt  }
0x80: {  	_ =	shalt  }
0x81: {  	_ =	shalt  }
0x82: {  	_ =	shalt  }
0x83: {  	_ =	shalt  }
0x84: {  	_ =	shalt  }
0x85: {  	_ =	shalt  }
0x86: {  	_ =	shalt  }
0x87: {  	_ =	shalt  }
.Lfunc_end0:
.L_simem_size_0:
called_computation_lowered:
.L_overlay_start_0:
0x88: {  	s2 =	sld [smem:$0x3FD9]  }
0x89: {  	s3 =	sld [smem:$0x3FFE];
	_ =	sdelay $0x1  }
0x8a: {  	s1 =	srdreg.scid  }
0x8b: {  	s0 =	sand.u32 $0x1, s1  }
0x8c: {  	s17 =	sshll.u32 s0, $0xA;
	s2 =	sadd.s32 s3, s2  }
0x8d: {  	s2 =	sadd.s32 s2, s17  }
0x8e: {  	[smem:$0x3FB8] =	sst s2  }
0x8f: {  	_ = 	snop  }
0x90: {  	s2 =	sld [smem:$0x3FD0];
	(tm) =	ssettm $0x1  }
0x91: {  	s18 =	sld [smem:$0x3FFB];
	_ =	sdelay $0x3  }
0x92: {  	_ =	strace s18  }
0x93: {  	s3 =	sld [smem:$0x3FFC];
	_ =	sdelay $0x3  }
0x94: {  	_ =	strace s3  }
0x95: {  	s3 =	sld [smem:$0x3FFD];
	_ =	sdelay $0x3  }
0x96: {  	_ =	strace s3  }
0x97: {  	_ =	strace $0x8FFFFFFF  }
0x98: {  	s19 =	sld [smem:$0x3FDB];
	_ =	sdelay $0x1  }
0x99: {  	s4 =	simm.s32 $_scs_section_size  }
0x9a: {  	s5 =	simm.s32 $_size__tile_overlayer_lowered;
	s6 =	simm.s32 $_tile_overlayer_lowered  }
0x9b: {  	s22 =	simm.s32 $0x1BFF;
	s21 =	sshll.u32 s6, $0x1;
	s3 =	sadd.s32 s4, s19  }
0x9c: {  	s7 =	simm.s32 $0x0;
	s20 =	sshll.u32 s5, $0x1;
	s5 =	sadd.s32 s21, s3  }
0x9d: {  	[timem:s7], [sflag:s22] =	dma.local [hbm:s5], s20  }
0x9e: {  	_ =	swait.ge [sflag:s22], s20  }
0x9f: {  	s4 =	ssub.s32 $0x0, s20;
	[sflag:s22] =	ssyncset.done $0x0  }
0xa0: {  	[sflag:s22] =	ssyncadd.s32 s4;
	_ =	sdelay $0x1  }
0xa1: {  	s23 =	simm.s32 $0x1B8B  }
0xa2: {  	_ =	swait.ge [sflag:s23], $0x1  }
0xa3: {  	[sflag:s23] =	ssyncset.done $0x0  }
0xa4: {  	s25 =	simm.s32 $0x1B8E;
	s24 =	sld [smem:$0x3FFE];
	[sflag:s23] =	ssyncadd.s32 $0xFFFFFFFF  }
0xa5: {  	s26 =	simm.s32 $execute0_lowered;
	[smem:$0x3FD2] =	sst s25  }
0xa6: {  	s5 =	sshll.u32 s26, $0x1;
	_ =	strace $0x80000046;
	[dreg:$0x1] =	wrdreg $0xFFFFFFFF  }
0xa7: {  	s28 =	simm.s32 $_size_execute0_lowered;
	s3 =	sadd.s32 s3, s5;
	[dreg:$0x0] =	wrdreg $0x0  }
0xa8: {  	s5 =	sshll.u32 s28, $0x1;
	[dreg:$0x2] =	wrdreg s3  }
0xa9: {  	[dreg:$0x3] =	wrdreg s5  }
0xaa: {  	[dreg:$0x4] =	wrdreg $0xC0  }
0xab: {  	_ =	task [dreg:s7], $0x5FFFF  }
0xac: {  	[dreg:$0x1] =	wrdreg $0xFFFFFFFF  }
0xad: {  	[dreg:$0x0] =	wrdreg $0x60  }
0xae: {  	[dreg:$0x2] =	wrdreg s2  }
0xaf: {  	[dreg:$0x3] =	wrdreg s24  }
0xb0: {  	[dreg:$0x4] =	wrdreg $0x70000  }
0xb1: {  	[dreg:$0x5] =	wrdreg $0x9  }
0xb2: {  	_ =	task.clear_ibuf [dreg:s7], $0x6FFFF;
	_ =	strace $0x90000046  }
0xb3: {  	s29 =	simm.s32 $0x9;
	_ =	strace $0x80000048  }
0xb4: {  	_ =	swait.ge [sflag:s29], $0x1  }
0xb5: {  	[sflag:s29] =	ssyncadd.s32 $0xFFFFFFFF  }
0xb6: {  	_ =	strace $0x90000048  }
0xb7: {  	_ =	sfence  }
0xb8: {  	s30 =	sld [smem:$0x0];
	_ =	sdelay $0x2  }
0xb9: {  	s31 =	sshll.u32 s1, $0xD;
	s1 =	sshrl.u32 s1, $0x2  }
0xba: {  	s3 =	sand.u32 $0x4000, s31;
	s1 =	sadd.s32 s1, s30  }
0xbb: {  	s0 =	sor.u32 s3, s0;
	s1 =	sshll.u32 s1, $0x11  }
0xbc: {  	s0 =	sor.u32 s1, s0  }
0xbd: {  	s0 =	sadd.s32 $0x8F2B, s0  }
0xbe: {  	[sflag:s0] =	ssyncadd.remote.s32 $0x1  }
0xbf: {  	_ =	sfence.sel $0xFFFF  }
0xc0: {  	[dreg:$0x0] =	wrdreg $0xFFFFFFFF;
	(pc) =	sbr.abs _section_cstart, $3  }
0xc1: {  	[dreg:$0x1] =	wrdreg $0xFFFFFFFF  }
0xc2: {  	_ =	task.clear_ibuf [dreg:s7], $0x2FFFF;
	_ =	strace $0x9FFFFFFF  }
0xc3: {  	(tm) =	ssettm $0x7FFFFFFF  }
tec
execute0_lowered:
.L_overlay_start_1:
0x0: {  	(tag) =	ssettag $0x1  }
0x1: {  	s8 =	rddreg [dreg:$0x0]  }
0x2: {  	s7 =	rddreg [dreg:$0x1]  }
0x3: {  	s1 =	rddreg [dreg:$0x2]  }
0x4: {  	s2 =	srdreg.scid;
	s0 =	rddreg [dreg:$0x3]  }
0x5: {  	s3 =	simm.s32 $0x0;
	s15 =	simm.s32 $0x1;
	s9 =	sand.u32 $0x1, s2  }
0x6: {  	s16 =	simm.s32 $0x0;
	s2 =	stileid.u32;
	s6 =	smul.u32 $0x13C000, s9  }
0x7: {  	[smem:$0x7FF] =	sst s3;
	s4 =	sadd.s32 $0x6600, s7;
	s10 =	smul.u32 $0x13C00, s2  }
0x8: {  	s5 =	sadd.s32 $0x3E00, s7;
	_ =	strace $0x80000047;
	s11 =	smul.u32 $0x4F000, s2  }
0x9: {  	s28 =	ssub.s32 $0x2, s9;
	s14 =	smul.u32 $0x6000, s2;
	p0 =	seq.s32 s9, $0x0  }
0xa: {  	s9 =	smul.u32 $0x3000, s9;
	s30 =	sshll.u32 s2, $0x6;
	s13 =	sshrl.u32 s28, $0x1  }
0xb: {  	s6 =	sadd.s32 s10, s6;
	s10 =	ssub.s32 s28, s13;
	s29 =	sshrl.u32 s11, $0x2  }
0xc: {  	s9 =	sadd.s32 s9, s14;
	s13 =	simm.s32 $0x3000;
	s14 =	simm.s32 $0x80  }
0xd: {  	s12 =	sshrl.u32 s6, $0x3;
	s6 =	simm.s32 $0x60;
	s31 =	sadd.s32 s29, s1  }
0xe: {  	s9 =	sshrl.u32 s9, $0x3;
	s10 =	smax.u32 s10, $0x1;
	s12 =	sadd.s32 s12, s7  }
0xf: {  	s6 =	simm.s32 @!p0 $0x3D;
	s7 =	sor.u32 $0x1C02, s30;
	s8 =	sadd.s32 s8, s9  }
0x10: {  	s11 =	sshrl.u32 s31, $0x3;
	s9 =	sadd.s32 $0x6E00, s12;
	s12 =	simm.s32 $0x2  }
.LBB2_1:
0x11: {  	[spmem:s11], [sflag:s7] =	dma.local [hbm:s5], $0x2780  }
0x12: {  	_ =	swait.ge [sflag:s12], $0x2780  }
0x13: {  	[sflag:s12] =	ssyncset.done $0x0  }
0x14: {  	[sflag:s12] =	ssyncadd.s32 $0xFFFFD880  }
0x15: {  	[tilespmem:s13], [sflag:$0x2] =	stream.linear.gather [hbm4b:s4+s3], $0x4000, $0x38;
	[tilespmem:$0x1AC00] =	vst v63  }
0x16: {  	_ =	swait.ge [sflag:s12], $0x4000  }
0x17: {  	[sflag:s12] =	ssyncset.done $0x0  }
0x18: {  	[sflag:s12] =	ssyncadd.s32 $0xFFFFC000  }
0x19: {  	[tilespmem:s3], [sflag:$0x2] =	stream.linear.gather [hbm4b:s8+s3], $0x3000, $0x38;
	[tilespmem:$0x1AC00] =	vst v63  }
0x1a: {  	_ =	swait.ge [sflag:s12], $0x3000  }
0x1b: {  	p1 =	sne.s32 s6, $0x1;
	[sflag:s12] =	ssyncset.done $0x0  }
.Ltmp0:
0x1c: {  	p0 =	por $0x1, $0x1;
	[sflag:s12] =	ssyncadd.s32 $0xFFFFD000;
	(pc) =	sbr.rel @!p1 .LBB2_3-.Ltmp0, $4  }
0x1d: {  	s19 =	simm.s32 @!p0 $0x1;
	[bflag:$0x0] =	sbarrier.arrive $0xFFFF  }
0x1e: {  	[spmem:s1] =	stream.indirect.scatter.add.f32 [tilespmem:s13], [sflag:$0x1], $0x80, s3, s14, $0xb8;
	[tilespmem:$0x1AC00] =	vst v63  }
0x1f: {  	_ =	swait.ge @!p0 [sflag:s19], $0x4000  }
0x20: {  	s17 =	simm.s32 $0x1;
	s18 =	simm.s32 $0x0;
	[sflag:s19] =	ssyncset.done @!p0 $0x0  }
.LBB2_2:
0x21: {  	[sflag:s19] =	ssyncadd.s32 @!p0 $0xFFFFC000  }
0x22: {  	s18 =	sadd.s32 $0x80, s18;
	s19 =	smov.u32 s17;
	s17 =	sadd.s32 $0x1, s17  }
0x23: {  	p1 =	sne.s32 s6, s17  }
0x24: {  	[spmem:s1] =	stream.indirect.scatter.add.f32 [tilespmem:s13], [sflag:$0x1], $0x80, s18, s14, $0xb8;
	[tilespmem:$0x1AC00] =	vst v63  }
.Ltmp1:
0x25: {  	_ = 	snop;
	(pc) =	sbr.rel @p1 .LBB2_2-.Ltmp1, $4  }
0x26: {  	p0 =	slt.u32 s19, $0x8  }
0x27: {  	s19 =	simm.s32 @!p0 $0x1  }
0x28: {  	_ =	swait.ge @!p0 [sflag:s19], $0x4000  }
0x29: {  	[sflag:s19] =	ssyncset.done @!p0 $0x0  }
.LBB2_3:
0x2a: {  	[sflag:s19] =	ssyncadd.s32 @!p0 $0xFFFFC000  }
0x2b: {  	_ =	swait.ge [sflag:s15], $0x4000  }
0x2c: {  	[sflag:s15] =	ssyncset.done $0x0  }
0x2d: {  	[sflag:s15] =	ssyncadd.s32 $0xFFFFC000  }
0x2e: {  	_ =	swait.ge [sflag:s15], $0x4000  }
0x2f: {  	[sflag:s15] =	ssyncset.done $0x0  }
0x30: {  	[sflag:s15] =	ssyncadd.s32 $0xFFFFC000  }
0x31: {  	_ =	swait.ge [sflag:s15], $0x4000  }
0x32: {  	[sflag:s15] =	ssyncset.done $0x0  }
0x33: {  	[sflag:s15] =	ssyncadd.s32 $0xFFFFC000  }
0x34: {  	_ =	swait.ge [sflag:s15], $0x4000  }
0x35: {  	[sflag:s15] =	ssyncset.done $0x0  }
0x36: {  	[sflag:s15] =	ssyncadd.s32 $0xFFFFC000  }
0x37: {  	_ =	swait.ge [sflag:s15], $0x4000  }
0x38: {  	[sflag:s15] =	ssyncset.done $0x0  }
0x39: {  	[sflag:s15] =	ssyncadd.s32 $0xFFFFC000  }
0x3a: {  	_ =	swait.ge [sflag:s15], $0x4000  }
0x3b: {  	[sflag:s15] =	ssyncset.done $0x0  }
0x3c: {  	[sflag:s15] =	ssyncadd.s32 $0xFFFFC000  }
0x3d: {  	_ =	swait.ge [sflag:s15], $0x4000  }
0x3e: {  	[sflag:s15] =	ssyncset.done $0x0  }
0x3f: {  	[sflag:s15] =	ssyncadd.s32 $0xFFFFC000  }
0x40: {  	_ =	swait.ge [sflag:s15], $0x4000  }
0x41: {  	s16 =	sadd.s32 $0x1, s16;
	[sflag:s15] =	ssyncset.done $0x0  }
0x42: {  	p0 =	sne.s32 s16, s10;
	[sflag:s15] =	ssyncadd.s32 $0xFFFFC000  }
.Ltmp2:
0x43: {  	[bflag:$0x0] =	sbarrier.arrive $0xFFFF;
	(pc) =	sbr.rel @p0 .LBB2_1-.Ltmp2, $4  }
0x44: {  	[hbm:s9], [sflag:s7] =	dma.local [spmem:s11], $0x2780  }
0x45: {  	_ =	swait.ge [sflag:s12], $0x2780  }
0x46: {  	[sflag:s12] =	ssyncset.done $0x0  }
0x47: {  	[sflag:s12] =	ssyncadd.s32 $0xFFFFD880  }
0x48: {  	_ =	sfence.sel $0x180000  }
0x49: {  	[bflag:$0x0] =	sbarrier.arrive $0xFFFF  }
0x4a: {  	p0 =	sne.s32 s2, $0x0;
	_ =	strace $0x90000047  }
0x4b: {  	s0 =	sadd.s32 @!p0 $0x100000, s0;
	[bflag:$0x2] =	sbarrier.arrive $0xFFFF  }
0x4c: {  	[sflag:s0] =	ssyncadd.tile.s32 @!p0 $0x1;
	_ =	shalt  }
.Lfunc_end2:
_tile_overlayer_lowered:
.L_overlay_start_2:
0x4d: {  	(tag) =	ssettag $0x2  }
0x4e: {  	s0 =	rddreg [dreg:$0x0];
	s2 =	stileid.u32  }
0x4f: {  	s1 =	rddreg [dreg:$0x1];
	p0 =	sne.s32 s2, $0x0  }
0x50: {  	s3 =	rddreg [dreg:$0x2];
	[bflag:$0x3] =	sbarrier.arrive $0xFFFF;
	s2 =	simm.s32 @!p0 $0x1C02  }
0x51: {  	[timem:s3], [sflag:s2] =	dma.local @!p0 [hbm:s0], s1  }
0x52: {  	s0 =	simm.s32 @!p0 $0x2  }
0x53: {  	_ =	swait.ge @!p0 [sflag:s0], s1  }
0x54: {  	s1 =	ssub.s32 @!p0 $0x0, s1;
	[sflag:s0] =	ssyncset.done @!p0 $0x0  }
0x55: {  	[sflag:s0] =	ssyncadd.s32 @!p0 s1  }
0x56: {  	[bflag:$0x3] =	sbarrier.arrive $0xFFFF  }
0x57: {  	_ =	shalt  }

// kernel: kernel.13.cloned.1.call-start
scs
__scs_entry_jumppad:
0x0: {  	(pc) =	sbr.rel $0x88, $3  }
0x1: {  	(tag) =	ssettag $0x0;
	lr =	simm.s32 $0x1  }
0x2: {  	[smem:$0x3F91] =	sst lr;
	_ =	strace $0xD0000000  }
0x3: {  	_ = 	snop  }
0x4: {  	_ = 	snop  }
0x5: {  	_ = 	snop  }
0x6: {  	_ = 	snop  }
0x7: {  	_ = 	snop  }
__scs_overlays_trampoline_lowered:
0x8: {  	[smem:$0x3FA0] =	sst s0  }
0x9: {  	[smem:$0x3FA1] =	sst s1  }
0xa: {  	[smem:$0x3FA2] =	sst s2  }
0xb: {  	[smem:$0x3FA3] =	sst s3  }
0xc: {  	[smem:$0x3FA4] =	sst s4  }
0xd: {  	[smem:$0x3FA5] =	sst s5  }
0xe: {  	[smem:$0x3FA6] =	sst s6  }
0xf: {  	[smem:$0x3FA7] =	sst s7  }
0x10: {  	[smem:$0x3FA8] =	sst s8  }
0x11: {  	[smem:$0x3FA9] =	sst s9;
	s0 =	simm.s32 @!p0 $0x0  }
0x12: {  	s1 =	sld [smem:$0x3F8F];
	s0 =	simm.s32 @p0 $0x1  }
0x13: {  	[smem:$0x3FAA] =	sst s0;
	s0 =	simm.s32 @!p1 $0x0  }
0x14: {  	s2 =	sld [smem:$0x3F8E];
	s0 =	simm.s32 @p1 $0x1  }
0x15: {  	[smem:$0x3FAB] =	sst s0;
	s0 =	simm.s32 @!p2 $0x0  }
0x16: {  	s3 =	sld [smem:$0x3FDB];
	s0 =	simm.s32 @p2 $0x1  }
0x17: {  	s4 =	simm.s32 $0x1BF5;
	[smem:$0x3FAD] =	sst s0  }
0x18: {  	s0 =	sld [smem:$0x3F90];
	_ =	swait.ge [sflag:s4], $0x0  }
0x19: {  	s7 =	sld [smem:$0x3F91]  }
0x1a: {  	s8 =	sadd.s32 $0xFFFFE003, lr  }
0x1b: {  	s9 =	sadd.s32 $0xFFFFFEF7, lr;
	s5 =	simm.s32 $0xFFFFFFFF;
	p2 =	slt.u32 s8, $0xFFFFF086  }
0x1c: {  	p1 =	slt.u32 s9, $0xF7A;
	s5 =	simm.s32 @!p2 $0x0  }
0x1d: {  	s5 =	simm.s32 @p1 $0x1;
	p0 =	seq.s32 s7, s2  }
0x1e: {  	s7 =	smul.u32 @!p0 $0xF7A, s2;
	p2 =	seq.s32 @!p0 s5, $0x0  }
0x1f: {  	s9 =	smul.u32 $0xF7A, s1;
	s8 =	simm.s32 @!p0 $0x1BF5;
	p2 =	por !p2, p0  }
0x20: {  	[sflag:s8] =	ssyncset.s32 @!p0 $0xFFFFF086;
	s6 =	sadd.s32 @!p0 s3, s7;
	s7 =	simm.s32 @!p0 $0x108  }
0x21: {  	s3 =	sadd.s32 s3, s9;
	s6 =	sadd.s32 @!p0 $0x88, s6;
	s7 =	simm.s32 @p2 $0x1082  }
0x22: {  	[simem:s7], [sflag:s8] =	dma.local @!p0 [hbm:s6], $0xF7A  }
0x23: {  	s9 =	sor.u32 $0xD0000000, s2;
	s6 =	simm.s32 $0x108;
	_ =	swait.ge @!p0 [sflag:s8], $0x0  }
0x24: {  	s3 =	sadd.s32 $0x88, s3;
	s6 =	simm.s32 @!p1 $0x1082;
	[sflag:s4] =	ssyncset.s32 $0xFFFFF086  }
0x25: {  	[simem:s6], [sflag:s4] =	dma.local [hbm:s3], $0xF7A  }
0x26: {  	[smem:$0x3F91] =	sst s1;
	(tag) =	ssettag s2;
	_ =	strace s9  }
0x27: {  	s1 =	sld [smem:$0x3FA1]  }
0x28: {  	s2 =	sld [smem:$0x3FA2]  }
0x29: {  	s4 =	sld [smem:$0x3FA4]  }
0x2a: {  	p0 =	seq.s32 s5, $0x0;
	s5 =	sld [smem:$0x3FA5]  }
0x2b: {  	s6 =	sld [smem:$0x3FA6]  }
0x2c: {  	s7 =	sld [smem:$0x3FA7]  }
0x2d: {  	s3 =	simm.s32 $0x108;
	s8 =	sld [smem:$0x3FA8]  }
0x2e: {  	s3 =	simm.s32 @!p0 $0x1082;
	s9 =	sld [smem:$0x3FA9]  }
0x2f: {  	lr =	sadd.s32 s0, s3;
	s0 =	sld [smem:$0x3FA0]  }
0x30: {  	s3 =	sld [smem:$0x3FA3]  }
0x31: {  	[smem:$0x3FAC] =	sst s10  }
0x32: {  	s10 =	sld [smem:$0x3FAA];
	_ =	sdelay $0x3  }
0x33: {  	p0 =	seq.s32 s10, $0x1;
	s10 =	sld [smem:$0x3FAC];
	_ =	sdelay $0x3  }
0x34: {  	[smem:$0x3FAC] =	sst s10  }
0x35: {  	s10 =	sld [smem:$0x3FAB];
	_ =	sdelay $0x3  }
0x36: {  	p1 =	seq.s32 s10, $0x1;
	s10 =	sld [smem:$0x3FAC];
	_ =	sdelay $0x3  }
0x37: {  	[smem:$0x3FAC] =	sst s10  }
0x38: {  	s10 =	sld [smem:$0x3FAD]  }
0x39: {  	_ = 	snop;
	(pc) =	sbr.ind lr, $3  }
0x3a: {  	_ = 	snop  }
0x3b: {  	_ = 	snop  }
0x3c: {  	p2 =	seq.s32 s10, $0x1;
	s10 =	sld [smem:$0x3FAC]  }
0x3d: {  	_ =	shalt  }
0x3e: {  	_ =	shalt  }
0x3f: {  	_ =	shalt  }
0x40: {  	_ =	shalt  }
0x41: {  	_ =	shalt  }
0x42: {  	_ =	shalt  }
0x43: {  	_ =	shalt  }
0x44: {  	_ =	shalt  }
0x45: {  	_ =	shalt  }
0x46: {  	_ =	shalt  }
0x47: {  	_ =	shalt  }
0x48: {  	_ =	shalt  }
0x49: {  	_ =	shalt  }
0x4a: {  	_ =	shalt  }
0x4b: {  	_ =	shalt  }
0x4c: {  	_ =	shalt  }
0x4d: {  	_ =	shalt  }
0x4e: {  	_ =	shalt  }
0x4f: {  	_ =	shalt  }
0x50: {  	_ =	shalt  }
0x51: {  	_ =	shalt  }
0x52: {  	_ =	shalt  }
0x53: {  	_ =	shalt  }
0x54: {  	_ =	shalt  }
0x55: {  	_ =	shalt  }
0x56: {  	_ =	shalt  }
0x57: {  	_ =	shalt  }
0x58: {  	_ =	shalt  }
0x59: {  	_ =	shalt  }
0x5a: {  	_ =	shalt  }
0x5b: {  	_ =	shalt  }
0x5c: {  	_ =	shalt  }
0x5d: {  	_ =	shalt  }
0x5e: {  	_ =	shalt  }
0x5f: {  	_ =	shalt  }
0x60: {  	_ =	shalt  }
0x61: {  	_ =	shalt  }
0x62: {  	_ =	shalt  }
0x63: {  	_ =	shalt  }
0x64: {  	_ =	shalt  }
0x65: {  	_ =	shalt  }
0x66: {  	_ =	shalt  }
0x67: {  	_ =	shalt  }
0x68: {  	_ =	shalt  }
0x69: {  	_ =	shalt  }
0x6a: {  	_ =	shalt  }
0x6b: {  	_ =	shalt  }
0x6c: {  	_ =	shalt  }
0x6d: {  	_ =	shalt  }
0x6e: {  	_ =	shalt  }
0x6f: {  	_ =	shalt  }
0x70: {  	_ =	shalt  }
0x71: {  	_ =	shalt  }
0x72: {  	_ =	shalt  }
0x73: {  	_ =	shalt  }
0x74: {  	_ =	shalt  }
0x75: {  	_ =	shalt  }
0x76: {  	_ =	shalt  }
0x77: {  	_ =	shalt  }
0x78: {  	_ =	shalt  }
0x79: {  	_ =	shalt  }
0x7a: {  	_ =	shalt  }
0x7b: {  	_ =	shalt  }
0x7c: {  	_ =	shalt  }
0x7d: {  	_ =	shalt  }
0x7e: {  	_ =	shalt  }
0x7f: {  	_ =	shalt  }
0x80: {  	_ =	shalt  }
0x81: {  	_ =	shalt  }
0x82: {  	_ =	shalt  }
0x83: {  	_ =	shalt  }
0x84: {  	_ =	shalt  }
0x85: {  	_ =	shalt  }
0x86: {  	_ =	shalt  }
0x87: {  	_ =	shalt  }
.Lfunc_end0:
.L_simem_size_0:
called_computation.1_lowered:
.L_overlay_start_0:
0x88: {  	s2 =	sld [smem:$0x3FD9]  }
0x89: {  	s3 =	sld [smem:$0x3FFE];
	_ =	sdelay $0x1  }
0x8a: {  	s1 =	srdreg.scid  }
0x8b: {  	s0 =	sand.u32 $0x1, s1  }
0x8c: {  	s17 =	sshll.u32 s0, $0xA;
	s2 =	sadd.s32 s3, s2  }
0x8d: {  	s2 =	sadd.s32 s2, s17  }
0x8e: {  	[smem:$0x3FB8] =	sst s2  }
0x8f: {  	_ = 	snop  }
0x90: {  	s2 =	sld [smem:$0x3FD0];
	(tm) =	ssettm $0x1  }
0x91: {  	s18 =	sld [smem:$0x3FFB];
	_ =	sdelay $0x3  }
0x92: {  	_ =	strace s18  }
0x93: {  	s3 =	sld [smem:$0x3FFC];
	_ =	sdelay $0x3  }
0x94: {  	_ =	strace s3  }
0x95: {  	s3 =	sld [smem:$0x3FFD];
	_ =	sdelay $0x3  }
0x96: {  	_ =	strace s3  }
0x97: {  	_ =	strace $0x8FFFFFFF  }
0x98: {  	s19 =	sld [smem:$0x3FDB];
	_ =	sdelay $0x1  }
0x99: {  	s4 =	simm.s32 $_scs_section_size  }
0x9a: {  	s5 =	simm.s32 $_size__tile_overlayer_lowered;
	s6 =	simm.s32 $_tile_overlayer_lowered  }
0x9b: {  	s22 =	simm.s32 $0x1BFF;
	s21 =	sshll.u32 s6, $0x1;
	s3 =	sadd.s32 s4, s19  }
0x9c: {  	s7 =	simm.s32 $0x0;
	s20 =	sshll.u32 s5, $0x1;
	s5 =	sadd.s32 s21, s3  }
0x9d: {  	[timem:s7], [sflag:s22] =	dma.local [hbm:s5], s20  }
0x9e: {  	_ =	swait.ge [sflag:s22], s20  }
0x9f: {  	s4 =	ssub.s32 $0x0, s20;
	[sflag:s22] =	ssyncset.done $0x0  }
0xa0: {  	[sflag:s22] =	ssyncadd.s32 s4;
	_ =	sdelay $0x1  }
0xa1: {  	s23 =	simm.s32 $0x1B8B  }
0xa2: {  	_ =	swait.ge [sflag:s23], $0x1  }
0xa3: {  	[sflag:s23] =	ssyncset.done $0x0  }
0xa4: {  	s25 =	simm.s32 $0x1B8E;
	s24 =	sld [smem:$0x3FFE];
	[sflag:s23] =	ssyncadd.s32 $0xFFFFFFFF  }
0xa5: {  	s26 =	simm.s32 $execute0_lowered;
	[smem:$0x3FD2] =	sst s25  }
0xa6: {  	s5 =	sshll.u32 s26, $0x1;
	_ =	strace $0x80000049;
	[dreg:$0x1] =	wrdreg $0xFFFFFFFF  }
0xa7: {  	s28 =	simm.s32 $_size_execute0_lowered;
	s3 =	sadd.s32 s3, s5;
	[dreg:$0x0] =	wrdreg $0x0  }
0xa8: {  	s5 =	sshll.u32 s28, $0x1;
	[dreg:$0x2] =	wrdreg s3  }
0xa9: {  	[dreg:$0x3] =	wrdreg s5  }
0xaa: {  	[dreg:$0x4] =	wrdreg $0xC0  }
0xab: {  	_ =	task [dreg:s7], $0x5FFFF  }
0xac: {  	[dreg:$0x1] =	wrdreg $0xFFFFFFFF  }
0xad: {  	[dreg:$0x0] =	wrdreg $0x60  }
0xae: {  	[dreg:$0x2] =	wrdreg s24  }
0xaf: {  	[dreg:$0x3] =	wrdreg s2  }
0xb0: {  	[dreg:$0x4] =	wrdreg $0xA0000  }
0xb1: {  	[dreg:$0x5] =	wrdreg $0x9  }
0xb2: {  	_ =	task.clear_ibuf [dreg:s7], $0x6FFFF;
	_ =	strace $0x90000049  }
0xb3: {  	s29 =	simm.s32 $0x9;
	_ =	strace $0x8000004B  }
0xb4: {  	_ =	swait.ge [sflag:s29], $0x1  }
0xb5: {  	[sflag:s29] =	ssyncadd.s32 $0xFFFFFFFF  }
0xb6: {  	_ =	strace $0x9000004B  }
0xb7: {  	_ =	sfence  }
0xb8: {  	s30 =	sld [smem:$0x0];
	_ =	sdelay $0x2  }
0xb9: {  	s31 =	sshll.u32 s1, $0xD;
	s1 =	sshrl.u32 s1, $0x2  }
0xba: {  	s3 =	sand.u32 $0x4000, s31;
	s1 =	sadd.s32 s1, s30  }
0xbb: {  	s0 =	sor.u32 s3, s0;
	s1 =	sshll.u32 s1, $0x11  }
0xbc: {  	s0 =	sor.u32 s1, s0  }
0xbd: {  	s0 =	sadd.s32 $0x8F2B, s0  }
0xbe: {  	[sflag:s0] =	ssyncadd.remote.s32 $0x1  }
0xbf: {  	_ =	sfence.sel $0xFFFF  }
0xc0: {  	[dreg:$0x0] =	wrdreg $0xFFFFFFFF;
	(pc) =	sbr.abs _section_cstart, $3  }
0xc1: {  	[dreg:$0x1] =	wrdreg $0xFFFFFFFF  }
0xc2: {  	_ =	task.clear_ibuf [dreg:s7], $0x2FFFF;
	_ =	strace $0x9FFFFFFF  }
0xc3: {  	(tm) =	ssettm $0x7FFFFFFF  }
tec
execute0_lowered:
.L_overlay_start_1:
0x0: {  	(tag) =	ssettag $0x1  }
0x1: {  	s6 =	rddreg [dreg:$0x0];
	s1 =	srdreg.scid  }
0x2: {  	s0 =	stileid.u32;
	s9 =	rddreg [dreg:$0x1]  }
0x3: {  	s2 =	rddreg [dreg:$0x2];
	s3 =	simm.s32 $0x0;
	s4 =	smul.u32 $0x6000, s0  }
0x4: {  	s15 =	simm.s32 $0x6000;
	s16 =	simm.s32 $0x1;
	s26 =	smul.u32 $0x13C00, s0  }
0x5: {  	s7 =	sand.u32 $0x1, s1;
	s1 =	rddreg [dreg:$0x3];
	s29 =	smul.u32 $0x4F000, s0  }
0x6: {  	s17 =	simm.s32 $0x0;
	[smem:$0x7FF] =	sst s3;
	s5 =	smul.u32 $0x3000, s7  }
0x7: {  	s31 =	sshll.u32 s0, $0x6;
	s8 =	smul.u32 $0x13C000, s7;
	_ =	strace $0x8000004A  }
0x8: {  	s12 =	ssub.s32 $0x2, s7;
	p0 =	seq.s32 s7, $0x0;
	s7 =	sor.u32 $0x1C02, s31  }
0x9: {  	s28 =	sshrl.u32 s12, $0x1;
	s30 =	sshrl.u32 s29, $0x2;
	s4 =	sadd.s32 s5, s4  }
0xa: {  	s8 =	sadd.s32 s26, s8;
	s5 =	sadd.s32 $0x3E00, s6;
	s12 =	ssub.s32 s12, s28  }
0xb: {  	s10 =	sshrl.u32 s4, $0x3;
	s4 =	sadd.s32 $0x61E00, s6;
	s8 =	sshrl.u32 s8, $0x3  }
0xc: {  	s11 =	sadd.s32 s10, s6;
	s13 =	sadd.s32 s8, s6;
	s6 =	simm.s32 $0x60  }
0xd: {  	s14 =	sadd.s32 s30, s2;
	s9 =	sadd.s32 s9, s10;
	s6 =	simm.s32 @!p0 $0x3D  }
0xe: {  	s8 =	sadd.s32 $0x55E00, s11;
	s10 =	sadd.s32 $0x89600, s13;
	s11 =	smax.u32 s12, $0x1  }
0xf: {  	s12 =	sshrl.u32 s14, $0x3;
	s13 =	simm.s32 $0x2;
	s14 =	simm.s32 $0x80  }
.LBB2_1:
0x10: {  	[spmem:s12], [sflag:s7] =	dma.local [hbm:s5], $0x2780  }
0x11: {  	_ =	swait.ge [sflag:s13], $0x2780  }
0x12: {  	[sflag:s13] =	ssyncset.done $0x0  }
0x13: {  	[sflag:s13] =	ssyncadd.s32 $0xFFFFD880  }
0x14: {  	[tilespmem:s3], [sflag:$0x2] =	stream.linear.gather [hbm4b:s8+s3], $0x3000, $0x38;
	[tilespmem:$0x1DC00] =	vst v63  }
0x15: {  	_ =	swait.ge [sflag:s13], $0x3000  }
0x16: {  	[sflag:s13] =	ssyncset.done $0x0  }
0x17: {  	s18 =	simm.s32 $0x3000;
	[sflag:s13] =	ssyncadd.s32 $0xFFFFD000  }
0x18: {  	[tilespmem:s18], [sflag:$0x2] =	stream.linear.gather [hbm4b:s9+s3], $0x3000, $0x38;
	[tilespmem:$0x1DC00] =	vst v63  }
0x19: {  	_ =	swait.ge [sflag:s13], $0x3000  }
0x1a: {  	[sflag:s13] =	ssyncset.done $0x0  }
0x1b: {  	[sflag:s13] =	ssyncadd.s32 $0xFFFFD000  }
0x1c: {  	[bflag:$0x0] =	sbarrier.arrive $0xFFFF  }
0x1d: {  	[tilespmem:s15], [sflag:$0x1] =	stream.indirect.gather [hbm4b:s4+s14], $0x80, s3, s14, $0xb8;
	[tilespmem:$0x1DC00] =	vst v63  }
0x1e: {  	p0 =	sne.s32 s6, $0x1;
	_ =	swait.ge [sflag:s16], $0x4000  }
.Ltmp0:
0x1f: {  	[sflag:s16] =	ssyncset.done $0x0;
	(pc) =	sbr.rel @!p0 .LBB2_3-.Ltmp0, $4  }
0x20: {  	[sflag:s16] =	ssyncadd.s32 $0xFFFFC000  }
0x21: {  	[spmem:s2] =	stream.indirect.scatter.add.f32 [tilespmem:s15], [sflag:$0x2], $0x80, s18, s14, $0xb8;
	[tilespmem:$0x1DC00] =	vst v63  }
0x22: {  	_ =	swait.ge [sflag:s13], $0x4000  }
0x23: {  	s19 =	sadd.s32 $0xFFFFFFFF, s6;
	s20 =	simm.s32 $0x0;
	[sflag:s13] =	ssyncset.done $0x0  }
.LBB2_2:
0x24: {  	[sflag:s13] =	ssyncadd.s32 $0xFFFFC000;
	s20 =	sadd.s32 $0x80, s20;
	s18 =	sadd.s32 $0x80, s18  }
0x25: {  	[tilespmem:s15], [sflag:$0x1] =	stream.indirect.gather [hbm4b:s4+s14], $0x80, s20, s14, $0xb8;
	[tilespmem:$0x1DC00] =	vst v63  }
0x26: {  	p0 =	sne.s32 s19, $0x1;
	s19 =	sadd.s32 $0xFFFFFFFF, s19;
	_ =	swait.ge [sflag:s16], $0x4000  }
.Ltmp1:
0x27: {  	[sflag:s16] =	ssyncset.done $0x0;
	(pc) =	sbr.rel @p0 .LBB2_2-.Ltmp1, $4  }
0x28: {  	[sflag:s16] =	ssyncadd.s32 $0xFFFFC000  }
0x29: {  	[spmem:s2] =	stream.indirect.scatter.add.f32 [tilespmem:s15], [sflag:$0x2], $0x80, s18, s14, $0xb8;
	[tilespmem:$0x1DC00] =	vst v63  }
0x2a: {  	_ =	swait.ge [sflag:s13], $0x4000  }
0x2b: {  	[sflag:s13] =	ssyncset.done $0x0  }
.LBB2_3:
0x2c: {  	s17 =	sadd.s32 $0x1, s17  }
0x2d: {  	[sflag:s13] =	ssyncadd.s32 $0xFFFFC000;
	p0 =	sne.s32 s17, s11  }
.Ltmp2:
0x2e: {  	[bflag:$0x0] =	sbarrier.arrive $0xFFFF;
	(pc) =	sbr.rel @p0 .LBB2_1-.Ltmp2, $4  }
0x2f: {  	[hbm:s10], [sflag:s7] =	dma.local [spmem:s12], $0x2780  }
0x30: {  	_ =	swait.ge [sflag:s13], $0x2780  }
0x31: {  	[sflag:s13] =	ssyncset.done $0x0  }
0x32: {  	[sflag:s13] =	ssyncadd.s32 $0xFFFFD880  }
0x33: {  	_ =	sfence.sel $0x180000  }
0x34: {  	[bflag:$0x0] =	sbarrier.arrive $0xFFFF  }
0x35: {  	p0 =	sne.s32 s0, $0x0;
	_ =	strace $0x9000004A  }
0x36: {  	s0 =	sadd.s32 @!p0 $0x100000, s1;
	[bflag:$0x2] =	sbarrier.arrive $0xFFFF  }
0x37: {  	[sflag:s0] =	ssyncadd.tile.s32 @!p0 $0x1;
	_ =	shalt  }
.Lfunc_end2:
_tile_overlayer_lowered:
.L_overlay_start_2:
0x38: {  	(tag) =	ssettag $0x2  }
0x39: {  	s0 =	rddreg [dreg:$0x0];
	s2 =	stileid.u32  }
0x3a: {  	s1 =	rddreg [dreg:$0x1];
	p0 =	sne.s32 s2, $0x0  }
0x3b: {  	s3 =	rddreg [dreg:$0x2];
	[bflag:$0x3] =	sbarrier.arrive $0xFFFF;
	s2 =	simm.s32 @!p0 $0x1C02  }
0x3c: {  	[timem:s3], [sflag:s2] =	dma.local @!p0 [hbm:s0], s1  }
0x3d: {  	s0 =	simm.s32 @!p0 $0x2  }
0x3e: {  	_ =	swait.ge @!p0 [sflag:s0], s1  }
0x3f: {  	s1 =	ssub.s32 @!p0 $0x0, s1;
	[sflag:s0] =	ssyncset.done @!p0 $0x0  }
0x40: {  	[sflag:s0] =	ssyncadd.s32 @!p0 s1  }
0x41: {  	[bflag:$0x3] =	sbarrier.arrive $0xFFFF  }
0x42: {  	_ =	shalt  }

// kernel: kernel.16.cloned.1.call-start
scs
__scs_entry_jumppad:
0x0: {  	(pc) =	sbr.rel $0x88, $3  }
0x1: {  	(tag) =	ssettag $0x0;
	lr =	simm.s32 $0x1  }
0x2: {  	[smem:$0x3F91] =	sst lr;
	_ =	strace $0xD0000000  }
0x3: {  	_ = 	snop  }
0x4: {  	_ = 	snop  }
0x5: {  	_ = 	snop  }
0x6: {  	_ = 	snop  }
0x7: {  	_ = 	snop  }
__scs_overlays_trampoline_lowered:
0x8: {  	[smem:$0x3FA0] =	sst s0  }
0x9: {  	[smem:$0x3FA1] =	sst s1  }
0xa: {  	[smem:$0x3FA2] =	sst s2  }
0xb: {  	[smem:$0x3FA3] =	sst s3  }
0xc: {  	[smem:$0x3FA4] =	sst s4  }
0xd: {  	[smem:$0x3FA5] =	sst s5  }
0xe: {  	[smem:$0x3FA6] =	sst s6  }
0xf: {  	[smem:$0x3FA7] =	sst s7  }
0x10: {  	[smem:$0x3FA8] =	sst s8  }
0x11: {  	[smem:$0x3FA9] =	sst s9;
	s0 =	simm.s32 @!p0 $0x0  }
0x12: {  	s1 =	sld [smem:$0x3F8F];
	s0 =	simm.s32 @p0 $0x1  }
0x13: {  	[smem:$0x3FAA] =	sst s0;
	s0 =	simm.s32 @!p1 $0x0  }
0x14: {  	s2 =	sld [smem:$0x3F8E];
	s0 =	simm.s32 @p1 $0x1  }
0x15: {  	[smem:$0x3FAB] =	sst s0;
	s0 =	simm.s32 @!p2 $0x0  }
0x16: {  	s3 =	sld [smem:$0x3FDB];
	s0 =	simm.s32 @p2 $0x1  }
0x17: {  	s4 =	simm.s32 $0x1BF5;
	[smem:$0x3FAD] =	sst s0  }
0x18: {  	s0 =	sld [smem:$0x3F90];
	_ =	swait.ge [sflag:s4], $0x0  }
0x19: {  	s7 =	sld [smem:$0x3F91]  }
0x1a: {  	s8 =	sadd.s32 $0xFFFFE003, lr  }
0x1b: {  	s9 =	sadd.s32 $0xFFFFFEF7, lr;
	s5 =	simm.s32 $0xFFFFFFFF;
	p2 =	slt.u32 s8, $0xFFFFF086  }
0x1c: {  	p1 =	slt.u32 s9, $0xF7A;
	s5 =	simm.s32 @!p2 $0x0  }
0x1d: {  	s5 =	simm.s32 @p1 $0x1;
	p0 =	seq.s32 s7, s2  }
0x1e: {  	s7 =	smul.u32 @!p0 $0xF7A, s2;
	p2 =	seq.s32 @!p0 s5, $0x0  }
0x1f: {  	s9 =	smul.u32 $0xF7A, s1;
	s8 =	simm.s32 @!p0 $0x1BF5;
	p2 =	por !p2, p0  }
0x20: {  	[sflag:s8] =	ssyncset.s32 @!p0 $0xFFFFF086;
	s6 =	sadd.s32 @!p0 s3, s7;
	s7 =	simm.s32 @!p0 $0x108  }
0x21: {  	s3 =	sadd.s32 s3, s9;
	s6 =	sadd.s32 @!p0 $0x88, s6;
	s7 =	simm.s32 @p2 $0x1082  }
0x22: {  	[simem:s7], [sflag:s8] =	dma.local @!p0 [hbm:s6], $0xF7A  }
0x23: {  	s9 =	sor.u32 $0xD0000000, s2;
	s6 =	simm.s32 $0x108;
	_ =	swait.ge @!p0 [sflag:s8], $0x0  }
0x24: {  	s3 =	sadd.s32 $0x88, s3;
	s6 =	simm.s32 @!p1 $0x1082;
	[sflag:s4] =	ssyncset.s32 $0xFFFFF086  }
0x25: {  	[simem:s6], [sflag:s4] =	dma.local [hbm:s3], $0xF7A  }
0x26: {  	[smem:$0x3F91] =	sst s1;
	(tag) =	ssettag s2;
	_ =	strace s9  }
0x27: {  	s1 =	sld [smem:$0x3FA1]  }
0x28: {  	s2 =	sld [smem:$0x3FA2]  }
0x29: {  	s4 =	sld [smem:$0x3FA4]  }
0x2a: {  	p0 =	seq.s32 s5, $0x0;
	s5 =	sld [smem:$0x3FA5]  }
0x2b: {  	s6 =	sld [smem:$0x3FA6]  }
0x2c: {  	s7 =	sld [smem:$0x3FA7]  }
0x2d: {  	s3 =	simm.s32 $0x108;
	s8 =	sld [smem:$0x3FA8]  }
0x2e: {  	s3 =	simm.s32 @!p0 $0x1082;
	s9 =	sld [smem:$0x3FA9]  }
0x2f: {  	lr =	sadd.s32 s0, s3;
	s0 =	sld [smem:$0x3FA0]  }
0x30: {  	s3 =	sld [smem:$0x3FA3]  }
0x31: {  	[smem:$0x3FAC] =	sst s10  }
0x32: {  	s10 =	sld [smem:$0x3FAA];
	_ =	sdelay $0x3  }
0x33: {  	p0 =	seq.s32 s10, $0x1;
	s10 =	sld [smem:$0x3FAC];
	_ =	sdelay $0x3  }
0x34: {  	[smem:$0x3FAC] =	sst s10  }
0x35: {  	s10 =	sld [smem:$0x3FAB];
	_ =	sdelay $0x3  }
0x36: {  	p1 =	seq.s32 s10, $0x1;
	s10 =	sld [smem:$0x3FAC];
	_ =	sdelay $0x3  }
0x37: {  	[smem:$0x3FAC] =	sst s10  }
0x38: {  	s10 =	sld [smem:$0x3FAD]  }
0x39: {  	_ = 	snop;
	(pc) =	sbr.ind lr, $3  }
0x3a: {  	_ = 	snop  }
0x3b: {  	_ = 	snop  }
0x3c: {  	p2 =	seq.s32 s10, $0x1;
	s10 =	sld [smem:$0x3FAC]  }
0x3d: {  	_ =	shalt  }
0x3e: {  	_ =	shalt  }
0x3f: {  	_ =	shalt  }
0x40: {  	_ =	shalt  }
0x41: {  	_ =	shalt  }
0x42: {  	_ =	shalt  }
0x43: {  	_ =	shalt  }
0x44: {  	_ =	shalt  }
0x45: {  	_ =	shalt  }
0x46: {  	_ =	shalt  }
0x47: {  	_ =	shalt  }
0x48: {  	_ =	shalt  }
0x49: {  	_ =	shalt  }
0x4a: {  	_ =	shalt  }
0x4b: {  	_ =	shalt  }
0x4c: {  	_ =	shalt  }
0x4d: {  	_ =	shalt  }
0x4e: {  	_ =	shalt  }
0x4f: {  	_ =	shalt  }
0x50: {  	_ =	shalt  }
0x51: {  	_ =	shalt  }
0x52: {  	_ =	shalt  }
0x53: {  	_ =	shalt  }
0x54: {  	_ =	shalt  }
0x55: {  	_ =	shalt  }
0x56: {  	_ =	shalt  }
0x57: {  	_ =	shalt  }
0x58: {  	_ =	shalt  }
0x59: {  	_ =	shalt  }
0x5a: {  	_ =	shalt  }
0x5b: {  	_ =	shalt  }
0x5c: {  	_ =	shalt  }
0x5d: {  	_ =	shalt  }
0x5e: {  	_ =	shalt  }
0x5f: {  	_ =	shalt  }
0x60: {  	_ =	shalt  }
0x61: {  	_ =	shalt  }
0x62: {  	_ =	shalt  }
0x63: {  	_ =	shalt  }
0x64: {  	_ =	shalt  }
0x65: {  	_ =	shalt  }
0x66: {  	_ =	shalt  }
0x67: {  	_ =	shalt  }
0x68: {  	_ =	shalt  }
0x69: {  	_ =	shalt  }
0x6a: {  	_ =	shalt  }
0x6b: {  	_ =	shalt  }
0x6c: {  	_ =	shalt  }
0x6d: {  	_ =	shalt  }
0x6e: {  	_ =	shalt  }
0x6f: {  	_ =	shalt  }
0x70: {  	_ =	shalt  }
0x71: {  	_ =	shalt  }
0x72: {  	_ =	shalt  }
0x73: {  	_ =	shalt  }
0x74: {  	_ =	shalt  }
0x75: {  	_ =	shalt  }
0x76: {  	_ =	shalt  }
0x77: {  	_ =	shalt  }
0x78: {  	_ =	shalt  }
0x79: {  	_ =	shalt  }
0x7a: {  	_ =	shalt  }
0x7b: {  	_ =	shalt  }
0x7c: {  	_ =	shalt  }
0x7d: {  	_ =	shalt  }
0x7e: {  	_ =	shalt  }
0x7f: {  	_ =	shalt  }
0x80: {  	_ =	shalt  }
0x81: {  	_ =	shalt  }
0x82: {  	_ =	shalt  }
0x83: {  	_ =	shalt  }
0x84: {  	_ =	shalt  }
0x85: {  	_ =	shalt  }
0x86: {  	_ =	shalt  }
0x87: {  	_ =	shalt  }
.Lfunc_end0:
.L_simem_size_0:
called_computation.2_lowered:
.L_overlay_start_0:
0x88: {  	s2 =	sld [smem:$0x3FD9]  }
0x89: {  	s3 =	sld [smem:$0x3FFE];
	_ =	sdelay $0x1  }
0x8a: {  	s1 =	srdreg.scid  }
0x8b: {  	s0 =	sand.u32 $0x1, s1  }
0x8c: {  	s17 =	sshll.u32 s0, $0xA;
	s2 =	sadd.s32 s3, s2  }
0x8d: {  	s2 =	sadd.s32 s2, s17  }
0x8e: {  	[smem:$0x3FB8] =	sst s2  }
0x8f: {  	_ = 	snop  }
0x90: {  	s2 =	sld [smem:$0x3FD0];
	(tm) =	ssettm $0x1  }
0x91: {  	s18 =	sld [smem:$0x3FFB];
	_ =	sdelay $0x3  }
0x92: {  	_ =	strace s18  }
0x93: {  	s3 =	sld [smem:$0x3FFC];
	_ =	sdelay $0x3  }
0x94: {  	_ =	strace s3  }
0x95: {  	s3 =	sld [smem:$0x3FFD];
	_ =	sdelay $0x3  }
0x96: {  	_ =	strace s3  }
0x97: {  	_ =	strace $0x8FFFFFFF  }
0x98: {  	s19 =	sld [smem:$0x3FDB];
	_ =	sdelay $0x1  }
0x99: {  	s4 =	simm.s32 $_scs_section_size  }
0x9a: {  	s5 =	simm.s32 $_size__tile_overlayer_lowered;
	s6 =	simm.s32 $_tile_overlayer_lowered  }
0x9b: {  	s22 =	simm.s32 $0x1BFF;
	s21 =	sshll.u32 s6, $0x1;
	s3 =	sadd.s32 s4, s19  }
0x9c: {  	s7 =	simm.s32 $0x0;
	s20 =	sshll.u32 s5, $0x1;
	s5 =	sadd.s32 s21, s3  }
0x9d: {  	[timem:s7], [sflag:s22] =	dma.local [hbm:s5], s20  }
0x9e: {  	_ =	swait.ge [sflag:s22], s20  }
0x9f: {  	s4 =	ssub.s32 $0x0, s20;
	[sflag:s22] =	ssyncset.done $0x0  }
0xa0: {  	[sflag:s22] =	ssyncadd.s32 s4;
	_ =	sdelay $0x1  }
0xa1: {  	s23 =	simm.s32 $0x1B8B  }
0xa2: {  	_ =	swait.ge [sflag:s23], $0x1  }
0xa3: {  	[sflag:s23] =	ssyncset.done $0x0  }
0xa4: {  	s25 =	simm.s32 $0x1B8E;
	s24 =	sld [smem:$0x3FFE];
	[sflag:s23] =	ssyncadd.s32 $0xFFFFFFFF  }
0xa5: {  	s26 =	simm.s32 $execute0_lowered;
	[smem:$0x3FD2] =	sst s25  }
0xa6: {  	s5 =	sshll.u32 s26, $0x1;
	_ =	strace $0x8000004C;
	[dreg:$0x1] =	wrdreg $0xFFFFFFFF  }
0xa7: {  	s28 =	simm.s32 $_size_execute0_lowered;
	s3 =	sadd.s32 s3, s5;
	[dreg:$0x0] =	wrdreg $0x0  }
0xa8: {  	s5 =	sshll.u32 s28, $0x1;
	[dreg:$0x2] =	wrdreg s3  }
0xa9: {  	[dreg:$0x3] =	wrdreg s5  }
0xaa: {  	[dreg:$0x4] =	wrdreg $0xC0  }
0xab: {  	_ =	task [dreg:s7], $0x5FFFF  }
0xac: {  	[dreg:$0x1] =	wrdreg $0xFFFFFFFF  }
0xad: {  	[dreg:$0x0] =	wrdreg $0x60  }
0xae: {  	[dreg:$0x2] =	wrdreg s24  }
0xaf: {  	[dreg:$0x3] =	wrdreg s2  }
0xb0: {  	[dreg:$0x4] =	wrdreg $0xA0000  }
0xb1: {  	[dreg:$0x5] =	wrdreg $0x9  }
0xb2: {  	_ =	task.clear_ibuf [dreg:s7], $0x6FFFF;
	_ =	strace $0x9000004C  }
0xb3: {  	s29 =	simm.s32 $0x9;
	_ =	strace $0x8000004E  }
0xb4: {  	_ =	swait.ge [sflag:s29], $0x1  }
0xb5: {  	[sflag:s29] =	ssyncadd.s32 $0xFFFFFFFF  }
0xb6: {  	_ =	strace $0x9000004E  }
0xb7: {  	_ =	sfence  }
0xb8: {  	s30 =	sld [smem:$0x0];
	_ =	sdelay $0x2  }
0xb9: {  	s31 =	sshll.u32 s1, $0xD;
	s1 =	sshrl.u32 s1, $0x2  }
0xba: {  	s3 =	sand.u32 $0x4000, s31;
	s1 =	sadd.s32 s1, s30  }
0xbb: {  	s0 =	sor.u32 s3, s0;
	s1 =	sshll.u32 s1, $0x11  }
0xbc: {  	s0 =	sor.u32 s1, s0  }
0xbd: {  	s0 =	sadd.s32 $0x8F2B, s0  }
0xbe: {  	[sflag:s0] =	ssyncadd.remote.s32 $0x1  }
0xbf: {  	_ =	sfence.sel $0xFFFF  }
0xc0: {  	[dreg:$0x0] =	wrdreg $0xFFFFFFFF;
	(pc) =	sbr.abs _section_cstart, $3  }
0xc1: {  	[dreg:$0x1] =	wrdreg $0xFFFFFFFF  }
0xc2: {  	_ =	task.clear_ibuf [dreg:s7], $0x2FFFF;
	_ =	strace $0x9FFFFFFF  }
0xc3: {  	(tm) =	ssettm $0x7FFFFFFF  }
tec
execute0_lowered:
.L_overlay_start_1:
0x0: {  	(tag) =	ssettag $0x1  }
0x1: {  	s6 =	rddreg [dreg:$0x0];
	s1 =	srdreg.scid  }
0x2: {  	s0 =	stileid.u32;
	s9 =	rddreg [dreg:$0x1]  }
0x3: {  	s2 =	rddreg [dreg:$0x2];
	s3 =	simm.s32 $0x0;
	s4 =	smul.u32 $0x6000, s0  }
0x4: {  	s15 =	simm.s32 $0x6000;
	s16 =	simm.s32 $0x1;
	s26 =	smul.u32 $0x13C00, s0  }
0x5: {  	s7 =	sand.u32 $0x1, s1;
	s1 =	rddreg [dreg:$0x3];
	s29 =	smul.u32 $0x4F000, s0  }
0x6: {  	s17 =	simm.s32 $0x0;
	[smem:$0x7FF] =	sst s3;
	s5 =	smul.u32 $0x3000, s7  }
0x7: {  	s31 =	sshll.u32 s0, $0x6;
	s8 =	smul.u32 $0x13C000, s7;
	_ =	strace $0x8000004D  }
0x8: {  	s12 =	ssub.s32 $0x2, s7;
	p0 =	seq.s32 s7, $0x0;
	s7 =	sor.u32 $0x1C02, s31  }
0x9: {  	s28 =	sshrl.u32 s12, $0x1;
	s30 =	sshrl.u32 s29, $0x2;
	s4 =	sadd.s32 s5, s4  }
0xa: {  	s8 =	sadd.s32 s26, s8;
	s5 =	sadd.s32 $0x3E00, s6;
	s12 =	ssub.s32 s12, s28  }
0xb: {  	s10 =	sshrl.u32 s4, $0x3;
	s4 =	sadd.s32 $0x61E00, s6;
	s8 =	sshrl.u32 s8, $0x3  }
0xc: {  	s11 =	sadd.s32 s10, s6;
	s13 =	sadd.s32 s8, s6;
	s6 =	simm.s32 $0x60  }
0xd: {  	s14 =	sadd.s32 s30, s2;
	s9 =	sadd.s32 s9, s10;
	s6 =	simm.s32 @!p0 $0x3D  }
0xe: {  	s8 =	sadd.s32 $0x55E00, s11;
	s10 =	sadd.s32 $0x89600, s13;
	s11 =	smax.u32 s12, $0x1  }
0xf: {  	s12 =	sshrl.u32 s14, $0x3;
	s13 =	simm.s32 $0x2;
	s14 =	simm.s32 $0x80  }
.LBB2_1:
0x10: {  	[spmem:s12], [sflag:s7] =	dma.local [hbm:s5], $0x2780  }
0x11: {  	_ =	swait.ge [sflag:s13], $0x2780  }
0x12: {  	[sflag:s13] =	ssyncset.done $0x0  }
0x13: {  	[sflag:s13] =	ssyncadd.s32 $0xFFFFD880  }
0x14: {  	[tilespmem:s3], [sflag:$0x2] =	stream.linear.gather [hbm4b:s8+s3], $0x3000, $0x38;
	[tilespmem:$0x1DC00] =	vst v63  }
0x15: {  	_ =	swait.ge [sflag:s13], $0x3000  }
0x16: {  	[sflag:s13] =	ssyncset.done $0x0  }
0x17: {  	s18 =	simm.s32 $0x3000;
	[sflag:s13] =	ssyncadd.s32 $0xFFFFD000  }
0x18: {  	[tilespmem:s18], [sflag:$0x2] =	stream.linear.gather [hbm4b:s9+s3], $0x3000, $0x38;
	[tilespmem:$0x1DC00] =	vst v63  }
0x19: {  	_ =	swait.ge [sflag:s13], $0x3000  }
0x1a: {  	[sflag:s13] =	ssyncset.done $0x0  }
0x1b: {  	[sflag:s13] =	ssyncadd.s32 $0xFFFFD000  }
0x1c: {  	[bflag:$0x0] =	sbarrier.arrive $0xFFFF  }
0x1d: {  	[tilespmem:s15], [sflag:$0x1] =	stream.indirect.gather [hbm4b:s4+s14], $0x80, s3, s14, $0xb8;
	[tilespmem:$0x1DC00] =	vst v63  }
0x1e: {  	p0 =	sne.s32 s6, $0x1;
	_ =	swait.ge [sflag:s16], $0x4000  }
.Ltmp0:
0x1f: {  	[sflag:s16] =	ssyncset.done $0x0;
	(pc) =	sbr.rel @!p0 .LBB2_3-.Ltmp0, $4  }
0x20: {  	[sflag:s16] =	ssyncadd.s32 $0xFFFFC000  }
0x21: {  	[spmem:s2] =	stream.indirect.scatter.add.f32 [tilespmem:s15], [sflag:$0x2], $0x80, s18, s14, $0xb8;
	[tilespmem:$0x1DC00] =	vst v63  }
0x22: {  	_ =	swait.ge [sflag:s13], $0x4000  }
0x23: {  	s19 =	sadd.s32 $0xFFFFFFFF, s6;
	s20 =	simm.s32 $0x0;
	[sflag:s13] =	ssyncset.done $0x0  }
.LBB2_2:
0x24: {  	[sflag:s13] =	ssyncadd.s32 $0xFFFFC000;
	s20 =	sadd.s32 $0x80, s20;
	s18 =	sadd.s32 $0x80, s18  }
0x25: {  	[tilespmem:s15], [sflag:$0x1] =	stream.indirect.gather [hbm4b:s4+s14], $0x80, s20, s14, $0xb8;
	[tilespmem:$0x1DC00] =	vst v63  }
0x26: {  	p0 =	sne.s32 s19, $0x1;
	s19 =	sadd.s32 $0xFFFFFFFF, s19;
	_ =	swait.ge [sflag:s16], $0x4000  }
.Ltmp1:
0x27: {  	[sflag:s16] =	ssyncset.done $0x0;
	(pc) =	sbr.rel @p0 .LBB2_2-.Ltmp1, $4  }
0x28: {  	[sflag:s16] =	ssyncadd.s32 $0xFFFFC000  }
0x29: {  	[spmem:s2] =	stream.indirect.scatter.add.f32 [tilespmem:s15], [sflag:$0x2], $0x80, s18, s14, $0xb8;
	[tilespmem:$0x1DC00] =	vst v63  }
0x2a: {  	_ =	swait.ge [sflag:s13], $0x4000  }
0x2b: {  	[sflag:s13] =	ssyncset.done $0x0  }
.LBB2_3:
0x2c: {  	s17 =	sadd.s32 $0x1, s17  }
0x2d: {  	[sflag:s13] =	ssyncadd.s32 $0xFFFFC000;
	p0 =	sne.s32 s17, s11  }
.Ltmp2:
0x2e: {  	[bflag:$0x0] =	sbarrier.arrive $0xFFFF;
	(pc) =	sbr.rel @p0 .LBB2_1-.Ltmp2, $4  }
0x2f: {  	[hbm:s10], [sflag:s7] =	dma.local [spmem:s12], $0x2780  }
0x30: {  	_ =	swait.ge [sflag:s13], $0x2780  }
0x31: {  	[sflag:s13] =	ssyncset.done $0x0  }
0x32: {  	[sflag:s13] =	ssyncadd.s32 $0xFFFFD880  }
0x33: {  	_ =	sfence.sel $0x180000  }
0x34: {  	[bflag:$0x0] =	sbarrier.arrive $0xFFFF  }
0x35: {  	p0 =	sne.s32 s0, $0x0;
	_ =	strace $0x9000004D  }
0x36: {  	s0 =	sadd.s32 @!p0 $0x100000, s1;
	[bflag:$0x2] =	sbarrier.arrive $0xFFFF  }
0x37: {  	[sflag:s0] =	ssyncadd.tile.s32 @!p0 $0x1;
	_ =	shalt  }
.Lfunc_end2:
_tile_overlayer_lowered:
.L_overlay_start_2:
0x38: {  	(tag) =	ssettag $0x2  }
0x39: {  	s0 =	rddreg [dreg:$0x0];
	s2 =	stileid.u32  }
0x3a: {  	s1 =	rddreg [dreg:$0x1];
	p0 =	sne.s32 s2, $0x0  }
0x3b: {  	s3 =	rddreg [dreg:$0x2];
	[bflag:$0x3] =	sbarrier.arrive $0xFFFF;
	s2 =	simm.s32 @!p0 $0x1C02  }
0x3c: {  	[timem:s3], [sflag:s2] =	dma.local @!p0 [hbm:s0], s1  }
0x3d: {  	s0 =	simm.s32 @!p0 $0x2  }
0x3e: {  	_ =	swait.ge @!p0 [sflag:s0], s1  }
0x3f: {  	s1 =	ssub.s32 @!p0 $0x0, s1;
	[sflag:s0] =	ssyncset.done @!p0 $0x0  }
0x40: {  	[sflag:s0] =	ssyncadd.s32 @!p0 s1  }
0x41: {  	[bflag:$0x3] =	sbarrier.arrive $0xFFFF  }
0x42: {  	_ =	shalt  }

// kernel: kernel.19.cloned.1.call-start
scs
__scs_entry_jumppad:
0x0: {  	(pc) =	sbr.rel $0x88, $3  }
0x1: {  	(tag) =	ssettag $0x0;
	lr =	simm.s32 $0x1  }
0x2: {  	[smem:$0x3F91] =	sst lr;
	_ =	strace $0xD0000000  }
0x3: {  	_ = 	snop  }
0x4: {  	_ = 	snop  }
0x5: {  	_ = 	snop  }
0x6: {  	_ = 	snop  }
0x7: {  	_ = 	snop  }
__scs_overlays_trampoline_lowered:
0x8: {  	[smem:$0x3FA0] =	sst s0  }
0x9: {  	[smem:$0x3FA1] =	sst s1  }
0xa: {  	[smem:$0x3FA2] =	sst s2  }
0xb: {  	[smem:$0x3FA3] =	sst s3  }
0xc: {  	[smem:$0x3FA4] =	sst s4  }
0xd: {  	[smem:$0x3FA5] =	sst s5  }
0xe: {  	[smem:$0x3FA6] =	sst s6  }
0xf: {  	[smem:$0x3FA7] =	sst s7  }
0x10: {  	[smem:$0x3FA8] =	sst s8  }
0x11: {  	[smem:$0x3FA9] =	sst s9;
	s0 =	simm.s32 @!p0 $0x0  }
0x12: {  	s1 =	sld [smem:$0x3F8F];
	s0 =	simm.s32 @p0 $0x1  }
0x13: {  	[smem:$0x3FAA] =	sst s0;
	s0 =	simm.s32 @!p1 $0x0  }
0x14: {  	s2 =	sld [smem:$0x3F8E];
	s0 =	simm.s32 @p1 $0x1  }
0x15: {  	[smem:$0x3FAB] =	sst s0;
	s0 =	simm.s32 @!p2 $0x0  }
0x16: {  	s3 =	sld [smem:$0x3FDB];
	s0 =	simm.s32 @p2 $0x1  }
0x17: {  	s4 =	simm.s32 $0x1BF5;
	[smem:$0x3FAD] =	sst s0  }
0x18: {  	s0 =	sld [smem:$0x3F90];
	_ =	swait.ge [sflag:s4], $0x0  }
0x19: {  	s7 =	sld [smem:$0x3F91]  }
0x1a: {  	s8 =	sadd.s32 $0xFFFFE003, lr  }
0x1b: {  	s9 =	sadd.s32 $0xFFFFFEF7, lr;
	s5 =	simm.s32 $0xFFFFFFFF;
	p2 =	slt.u32 s8, $0xFFFFF086  }
0x1c: {  	p1 =	slt.u32 s9, $0xF7A;
	s5 =	simm.s32 @!p2 $0x0  }
0x1d: {  	s5 =	simm.s32 @p1 $0x1;
	p0 =	seq.s32 s7, s2  }
0x1e: {  	s7 =	smul.u32 @!p0 $0xF7A, s2;
	p2 =	seq.s32 @!p0 s5, $0x0  }
0x1f: {  	s9 =	smul.u32 $0xF7A, s1;
	s8 =	simm.s32 @!p0 $0x1BF5;
	p2 =	por !p2, p0  }
0x20: {  	[sflag:s8] =	ssyncset.s32 @!p0 $0xFFFFF086;
	s6 =	sadd.s32 @!p0 s3, s7;
	s7 =	simm.s32 @!p0 $0x108  }
0x21: {  	s3 =	sadd.s32 s3, s9;
	s6 =	sadd.s32 @!p0 $0x88, s6;
	s7 =	simm.s32 @p2 $0x1082  }
0x22: {  	[simem:s7], [sflag:s8] =	dma.local @!p0 [hbm:s6], $0xF7A  }
0x23: {  	s9 =	sor.u32 $0xD0000000, s2;
	s6 =	simm.s32 $0x108;
	_ =	swait.ge @!p0 [sflag:s8], $0x0  }
0x24: {  	s3 =	sadd.s32 $0x88, s3;
	s6 =	simm.s32 @!p1 $0x1082;
	[sflag:s4] =	ssyncset.s32 $0xFFFFF086  }
0x25: {  	[simem:s6], [sflag:s4] =	dma.local [hbm:s3], $0xF7A  }
0x26: {  	[smem:$0x3F91] =	sst s1;
	(tag) =	ssettag s2;
	_ =	strace s9  }
0x27: {  	s1 =	sld [smem:$0x3FA1]  }
0x28: {  	s2 =	sld [smem:$0x3FA2]  }
0x29: {  	s4 =	sld [smem:$0x3FA4]  }
0x2a: {  	p0 =	seq.s32 s5, $0x0;
	s5 =	sld [smem:$0x3FA5]  }
0x2b: {  	s6 =	sld [smem:$0x3FA6]  }
0x2c: {  	s7 =	sld [smem:$0x3FA7]  }
0x2d: {  	s3 =	simm.s32 $0x108;
	s8 =	sld [smem:$0x3FA8]  }
0x2e: {  	s3 =	simm.s32 @!p0 $0x1082;
	s9 =	sld [smem:$0x3FA9]  }
0x2f: {  	lr =	sadd.s32 s0, s3;
	s0 =	sld [smem:$0x3FA0]  }
0x30: {  	s3 =	sld [smem:$0x3FA3]  }
0x31: {  	[smem:$0x3FAC] =	sst s10  }
0x32: {  	s10 =	sld [smem:$0x3FAA];
	_ =	sdelay $0x3  }
0x33: {  	p0 =	seq.s32 s10, $0x1;
	s10 =	sld [smem:$0x3FAC];
	_ =	sdelay $0x3  }
0x34: {  	[smem:$0x3FAC] =	sst s10  }
0x35: {  	s10 =	sld [smem:$0x3FAB];
	_ =	sdelay $0x3  }
0x36: {  	p1 =	seq.s32 s10, $0x1;
	s10 =	sld [smem:$0x3FAC];
	_ =	sdelay $0x3  }
0x37: {  	[smem:$0x3FAC] =	sst s10  }
0x38: {  	s10 =	sld [smem:$0x3FAD]  }
0x39: {  	_ = 	snop;
	(pc) =	sbr.ind lr, $3  }
0x3a: {  	_ = 	snop  }
0x3b: {  	_ = 	snop  }
0x3c: {  	p2 =	seq.s32 s10, $0x1;
	s10 =	sld [smem:$0x3FAC]  }
0x3d: {  	_ =	shalt  }
0x3e: {  	_ =	shalt  }
0x3f: {  	_ =	shalt  }
0x40: {  	_ =	shalt  }
0x41: {  	_ =	shalt  }
0x42: {  	_ =	shalt  }
0x43: {  	_ =	shalt  }
0x44: {  	_ =	shalt  }
0x45: {  	_ =	shalt  }
0x46: {  	_ =	shalt  }
0x47: {  	_ =	shalt  }
0x48: {  	_ =	shalt  }
0x49: {  	_ =	shalt  }
0x4a: {  	_ =	shalt  }
0x4b: {  	_ =	shalt  }
0x4c: {  	_ =	shalt  }
0x4d: {  	_ =	shalt  }
0x4e: {  	_ =	shalt  }
0x4f: {  	_ =	shalt  }
0x50: {  	_ =	shalt  }
0x51: {  	_ =	shalt  }
0x52: {  	_ =	shalt  }
0x53: {  	_ =	shalt  }
0x54: {  	_ =	shalt  }
0x55: {  	_ =	shalt  }
0x56: {  	_ =	shalt  }
0x57: {  	_ =	shalt  }
0x58: {  	_ =	shalt  }
0x59: {  	_ =	shalt  }
0x5a: {  	_ =	shalt  }
0x5b: {  	_ =	shalt  }
0x5c: {  	_ =	shalt  }
0x5d: {  	_ =	shalt  }
0x5e: {  	_ =	shalt  }
0x5f: {  	_ =	shalt  }
0x60: {  	_ =	shalt  }
0x61: {  	_ =	shalt  }
0x62: {  	_ =	shalt  }
0x63: {  	_ =	shalt  }
0x64: {  	_ =	shalt  }
0x65: {  	_ =	shalt  }
0x66: {  	_ =	shalt  }
0x67: {  	_ =	shalt  }
0x68: {  	_ =	shalt  }
0x69: {  	_ =	shalt  }
0x6a: {  	_ =	shalt  }
0x6b: {  	_ =	shalt  }
0x6c: {  	_ =	shalt  }
0x6d: {  	_ =	shalt  }
0x6e: {  	_ =	shalt  }
0x6f: {  	_ =	shalt  }
0x70: {  	_ =	shalt  }
0x71: {  	_ =	shalt  }
0x72: {  	_ =	shalt  }
0x73: {  	_ =	shalt  }
0x74: {  	_ =	shalt  }
0x75: {  	_ =	shalt  }
0x76: {  	_ =	shalt  }
0x77: {  	_ =	shalt  }
0x78: {  	_ =	shalt  }
0x79: {  	_ =	shalt  }
0x7a: {  	_ =	shalt  }
0x7b: {  	_ =	shalt  }
0x7c: {  	_ =	shalt  }
0x7d: {  	_ =	shalt  }
0x7e: {  	_ =	shalt  }
0x7f: {  	_ =	shalt  }
0x80: {  	_ =	shalt  }
0x81: {  	_ =	shalt  }
0x82: {  	_ =	shalt  }
0x83: {  	_ =	shalt  }
0x84: {  	_ =	shalt  }
0x85: {  	_ =	shalt  }
0x86: {  	_ =	shalt  }
0x87: {  	_ =	shalt  }
.Lfunc_end0:
.L_simem_size_0:
called_computation.3_lowered:
.L_overlay_start_0:
0x88: {  	s2 =	sld [smem:$0x3FD9]  }
0x89: {  	s3 =	sld [smem:$0x3FFE];
	_ =	sdelay $0x1  }
0x8a: {  	s1 =	srdreg.scid  }
0x8b: {  	s0 =	sand.u32 $0x1, s1  }
0x8c: {  	s17 =	sshll.u32 s0, $0xA;
	s2 =	sadd.s32 s3, s2  }
0x8d: {  	s2 =	sadd.s32 s2, s17  }
0x8e: {  	[smem:$0x3FB8] =	sst s2  }
0x8f: {  	_ = 	snop  }
0x90: {  	s2 =	sld [smem:$0x3FD0];
	(tm) =	ssettm $0x1  }
0x91: {  	s18 =	sld [smem:$0x3FFB];
	_ =	sdelay $0x3  }
0x92: {  	_ =	strace s18  }
0x93: {  	s3 =	sld [smem:$0x3FFC];
	_ =	sdelay $0x3  }
0x94: {  	_ =	strace s3  }
0x95: {  	s3 =	sld [smem:$0x3FFD];
	_ =	sdelay $0x3  }
0x96: {  	_ =	strace s3  }
0x97: {  	_ =	strace $0x8FFFFFFF  }
0x98: {  	s19 =	sld [smem:$0x3FDB];
	_ =	sdelay $0x1  }
0x99: {  	s4 =	simm.s32 $_scs_section_size  }
0x9a: {  	s5 =	simm.s32 $_size__tile_overlayer_lowered;
	s6 =	simm.s32 $_tile_overlayer_lowered  }
0x9b: {  	s22 =	simm.s32 $0x1BFF;
	s21 =	sshll.u32 s6, $0x1;
	s3 =	sadd.s32 s4, s19  }
0x9c: {  	s7 =	simm.s32 $0x0;
	s20 =	sshll.u32 s5, $0x1;
	s5 =	sadd.s32 s21, s3  }
0x9d: {  	[timem:s7], [sflag:s22] =	dma.local [hbm:s5], s20  }
0x9e: {  	_ =	swait.ge [sflag:s22], s20  }
0x9f: {  	s4 =	ssub.s32 $0x0, s20;
	[sflag:s22] =	ssyncset.done $0x0  }
0xa0: {  	[sflag:s22] =	ssyncadd.s32 s4;
	_ =	sdelay $0x1  }
0xa1: {  	s23 =	simm.s32 $0x1B8B  }
0xa2: {  	_ =	swait.ge [sflag:s23], $0x1  }
0xa3: {  	[sflag:s23] =	ssyncset.done $0x0  }
0xa4: {  	s25 =	simm.s32 $0x1B8E;
	s24 =	sld [smem:$0x3FFE];
	[sflag:s23] =	ssyncadd.s32 $0xFFFFFFFF  }
0xa5: {  	s26 =	simm.s32 $execute0_lowered;
	[smem:$0x3FD2] =	sst s25  }
0xa6: {  	s5 =	sshll.u32 s26, $0x1;
	_ =	strace $0x8000004F;
	[dreg:$0x1] =	wrdreg $0xFFFFFFFF  }
0xa7: {  	s28 =	simm.s32 $_size_execute0_lowered;
	s3 =	sadd.s32 s3, s5;
	[dreg:$0x0] =	wrdreg $0x0  }
0xa8: {  	s5 =	sshll.u32 s28, $0x1;
	[dreg:$0x2] =	wrdreg s3  }
0xa9: {  	[dreg:$0x3] =	wrdreg s5  }
0xaa: {  	[dreg:$0x4] =	wrdreg $0xC0  }
0xab: {  	_ =	task [dreg:s7], $0x5FFFF  }
0xac: {  	[dreg:$0x1] =	wrdreg $0xFFFFFFFF  }
0xad: {  	[dreg:$0x0] =	wrdreg $0x60  }
0xae: {  	[dreg:$0x2] =	wrdreg s24  }
0xaf: {  	[dreg:$0x3] =	wrdreg s2  }
0xb0: {  	[dreg:$0x4] =	wrdreg $0xA0000  }
0xb1: {  	[dreg:$0x5] =	wrdreg $0x9  }
0xb2: {  	_ =	task.clear_ibuf [dreg:s7], $0x6FFFF;
	_ =	strace $0x9000004F  }
0xb3: {  	s29 =	simm.s32 $0x9;
	_ =	strace $0x80000051  }
0xb4: {  	_ =	swait.ge [sflag:s29], $0x1  }
0xb5: {  	[sflag:s29] =	ssyncadd.s32 $0xFFFFFFFF  }
0xb6: {  	_ =	strace $0x90000051  }
0xb7: {  	_ =	sfence  }
0xb8: {  	s30 =	sld [smem:$0x0];
	_ =	sdelay $0x2  }
0xb9: {  	s31 =	sshll.u32 s1, $0xD;
	s1 =	sshrl.u32 s1, $0x2  }
0xba: {  	s3 =	sand.u32 $0x4000, s31;
	s1 =	sadd.s32 s1, s30  }
0xbb: {  	s0 =	sor.u32 s3, s0;
	s1 =	sshll.u32 s1, $0x11  }
0xbc: {  	s0 =	sor.u32 s1, s0  }
0xbd: {  	s0 =	sadd.s32 $0x8F2B, s0  }
0xbe: {  	[sflag:s0] =	ssyncadd.remote.s32 $0x1  }
0xbf: {  	_ =	sfence.sel $0xFFFF  }
0xc0: {  	[dreg:$0x0] =	wrdreg $0xFFFFFFFF;
	(pc) =	sbr.abs _section_cstart, $3  }
0xc1: {  	[dreg:$0x1] =	wrdreg $0xFFFFFFFF  }
0xc2: {  	_ =	task.clear_ibuf [dreg:s7], $0x2FFFF;
	_ =	strace $0x9FFFFFFF  }
0xc3: {  	(tm) =	ssettm $0x7FFFFFFF  }
tec
execute0_lowered:
.L_overlay_start_1:
0x0: {  	(tag) =	ssettag $0x1  }
0x1: {  	s6 =	rddreg [dreg:$0x0];
	s1 =	srdreg.scid  }
0x2: {  	s0 =	stileid.u32;
	s9 =	rddreg [dreg:$0x1]  }
0x3: {  	s2 =	rddreg [dreg:$0x2];
	s3 =	simm.s32 $0x0;
	s4 =	smul.u32 $0x6000, s0  }
0x4: {  	s15 =	simm.s32 $0x6000;
	s16 =	simm.s32 $0x1;
	s26 =	smul.u32 $0x13C00, s0  }
0x5: {  	s7 =	sand.u32 $0x1, s1;
	s1 =	rddreg [dreg:$0x3];
	s29 =	smul.u32 $0x4F000, s0  }
0x6: {  	s17 =	simm.s32 $0x0;
	[smem:$0x7FF] =	sst s3;
	s5 =	smul.u32 $0x3000, s7  }
0x7: {  	s31 =	sshll.u32 s0, $0x6;
	s8 =	smul.u32 $0x13C000, s7;
	_ =	strace $0x80000050  }
0x8: {  	s12 =	ssub.s32 $0x2, s7;
	p0 =	seq.s32 s7, $0x0;
	s7 =	sor.u32 $0x1C02, s31  }
0x9: {  	s28 =	sshrl.u32 s12, $0x1;
	s30 =	sshrl.u32 s29, $0x2;
	s4 =	sadd.s32 s5, s4  }
0xa: {  	s8 =	sadd.s32 s26, s8;
	s5 =	sadd.s32 $0x3E00, s6;
	s12 =	ssub.s32 s12, s28  }
0xb: {  	s10 =	sshrl.u32 s4, $0x3;
	s4 =	sadd.s32 $0x61E00, s6;
	s8 =	sshrl.u32 s8, $0x3  }
0xc: {  	s11 =	sadd.s32 s10, s6;
	s13 =	sadd.s32 s8, s6;
	s6 =	simm.s32 $0x60  }
0xd: {  	s14 =	sadd.s32 s30, s2;
	s9 =	sadd.s32 s9, s10;
	s6 =	simm.s32 @!p0 $0x3D  }
0xe: {  	s8 =	sadd.s32 $0x55E00, s11;
	s10 =	sadd.s32 $0x89600, s13;
	s11 =	smax.u32 s12, $0x1  }
0xf: {  	s12 =	sshrl.u32 s14, $0x3;
	s13 =	simm.s32 $0x2;
	s14 =	simm.s32 $0x80  }
.LBB2_1:
0x10: {  	[spmem:s12], [sflag:s7] =	dma.local [hbm:s5], $0x2780  }
0x11: {  	_ =	swait.ge [sflag:s13], $0x2780  }
0x12: {  	[sflag:s13] =	ssyncset.done $0x0  }
0x13: {  	[sflag:s13] =	ssyncadd.s32 $0xFFFFD880  }
0x14: {  	[tilespmem:s3], [sflag:$0x2] =	stream.linear.gather [hbm4b:s8+s3], $0x3000, $0x38;
	[tilespmem:$0x1DC00] =	vst v63  }
0x15: {  	_ =	swait.ge [sflag:s13], $0x3000  }
0x16: {  	[sflag:s13] =	ssyncset.done $0x0  }
0x17: {  	s18 =	simm.s32 $0x3000;
	[sflag:s13] =	ssyncadd.s32 $0xFFFFD000  }
0x18: {  	[tilespmem:s18], [sflag:$0x2] =	stream.linear.gather [hbm4b:s9+s3], $0x3000, $0x38;
	[tilespmem:$0x1DC00] =	vst v63  }
0x19: {  	_ =	swait.ge [sflag:s13], $0x3000  }
0x1a: {  	[sflag:s13] =	ssyncset.done $0x0  }
0x1b: {  	[sflag:s13] =	ssyncadd.s32 $0xFFFFD000  }
0x1c: {  	[bflag:$0x0] =	sbarrier.arrive $0xFFFF  }
0x1d: {  	[tilespmem:s15], [sflag:$0x1] =	stream.indirect.gather [hbm4b:s4+s14], $0x80, s3, s14, $0xb8;
	[tilespmem:$0x1DC00] =	vst v63  }
0x1e: {  	p0 =	sne.s32 s6, $0x1;
	_ =	swait.ge [sflag:s16], $0x4000  }
.Ltmp0:
0x1f: {  	[sflag:s16] =	ssyncset.done $0x0;
	(pc) =	sbr.rel @!p0 .LBB2_3-.Ltmp0, $4  }
0x20: {  	[sflag:s16] =	ssyncadd.s32 $0xFFFFC000  }
0x21: {  	[spmem:s2] =	stream.indirect.scatter.add.f32 [tilespmem:s15], [sflag:$0x2], $0x80, s18, s14, $0xb8;
	[tilespmem:$0x1DC00] =	vst v63  }
0x22: {  	_ =	swait.ge [sflag:s13], $0x4000  }
0x23: {  	s19 =	sadd.s32 $0xFFFFFFFF, s6;
	s20 =	simm.s32 $0x0;
	[sflag:s13] =	ssyncset.done $0x0  }
.LBB2_2:
0x24: {  	[sflag:s13] =	ssyncadd.s32 $0xFFFFC000;
	s20 =	sadd.s32 $0x80, s20;
	s18 =	sadd.s32 $0x80, s18  }
0x25: {  	[tilespmem:s15], [sflag:$0x1] =	stream.indirect.gather [hbm4b:s4+s14], $0x80, s20, s14, $0xb8;
	[tilespmem:$0x1DC00] =	vst v63  }
0x26: {  	p0 =	sne.s32 s19, $0x1;
	s19 =	sadd.s32 $0xFFFFFFFF, s19;
	_ =	swait.ge [sflag:s16], $0x4000  }
.Ltmp1:
0x27: {  	[sflag:s16] =	ssyncset.done $0x0;
	(pc) =	sbr.rel @p0 .LBB2_2-.Ltmp1, $4  }
0x28: {  	[sflag:s16] =	ssyncadd.s32 $0xFFFFC000  }
0x29: {  	[spmem:s2] =	stream.indirect.scatter.add.f32 [tilespmem:s15], [sflag:$0x2], $0x80, s18, s14, $0xb8;
	[tilespmem:$0x1DC00] =	vst v63  }
0x2a: {  	_ =	swait.ge [sflag:s13], $0x4000  }
0x2b: {  	[sflag:s13] =	ssyncset.done $0x0  }
.LBB2_3:
0x2c: {  	s17 =	sadd.s32 $0x1, s17  }
0x2d: {  	[sflag:s13] =	ssyncadd.s32 $0xFFFFC000;
	p0 =	sne.s32 s17, s11  }
.Ltmp2:
0x2e: {  	[bflag:$0x0] =	sbarrier.arrive $0xFFFF;
	(pc) =	sbr.rel @p0 .LBB2_1-.Ltmp2, $4  }
0x2f: {  	[hbm:s10], [sflag:s7] =	dma.local [spmem:s12], $0x2780  }
0x30: {  	_ =	swait.ge [sflag:s13], $0x2780  }
0x31: {  	[sflag:s13] =	ssyncset.done $0x0  }
0x32: {  	[sflag:s13] =	ssyncadd.s32 $0xFFFFD880  }
0x33: {  	_ =	sfence.sel $0x180000  }
0x34: {  	[bflag:$0x0] =	sbarrier.arrive $0xFFFF  }
0x35: {  	p0 =	sne.s32 s0, $0x0;
	_ =	strace $0x90000050  }
0x36: {  	s0 =	sadd.s32 @!p0 $0x100000, s1;
	[bflag:$0x2] =	sbarrier.arrive $0xFFFF  }
0x37: {  	[sflag:s0] =	ssyncadd.tile.s32 @!p0 $0x1;
	_ =	shalt  }
.Lfunc_end2:
_tile_overlayer_lowered:
.L_overlay_start_2:
0x38: {  	(tag) =	ssettag $0x2  }
0x39: {  	s0 =	rddreg [dreg:$0x0];
	s2 =	stileid.u32  }
0x3a: {  	s1 =	rddreg [dreg:$0x1];
	p0 =	sne.s32 s2, $0x0  }
0x3b: {  	s3 =	rddreg [dreg:$0x2];
	[bflag:$0x3] =	sbarrier.arrive $0xFFFF;
	s2 =	simm.s32 @!p0 $0x1C02  }
0x3c: {  	[timem:s3], [sflag:s2] =	dma.local @!p0 [hbm:s0], s1  }
0x3d: {  	s0 =	simm.s32 @!p0 $0x2  }
0x3e: {  	_ =	swait.ge @!p0 [sflag:s0], s1  }
0x3f: {  	s1 =	ssub.s32 @!p0 $0x0, s1;
	[sflag:s0] =	ssyncset.done @!p0 $0x0  }
0x40: {  	[sflag:s0] =	ssyncadd.s32 @!p0 s1  }
0x41: {  	[bflag:$0x3] =	sbarrier.arrive $0xFFFF  }
0x42: {  	_ =	shalt  }

</sc_bundles>
